<compile_context>
chip_gen: v7x
topology: tpu7x:2x2x1
jax: 0.10.2.dev20260603
libtpu: 0.0.44.dev20260713+nightly
codegen_flags: <defaults>
</compile_context>

<pallas_src>
import functools

import jax
import jax.numpy as jnp
from jax import lax
from jax.experimental import pallas as pl
from jax.experimental.pallas import tpu as pltpu
from jax.experimental.pallas import tpu_sc as plsc

_N = 50000
_E = 800000
_IN = 128
_HID = 64
_OUT = 32
_G = 256

_NC, _NS = 2, 16
_SLAB = 3128
_SLAB_LAST = _N - 15 * _SLAB
_KD = 1000
_K1 = 400
_K2 = 200
_EPT1 = _E // _NS
_EPT2 = _E // (_NC * _NS)
_BN = 1000


def _sc_mesh():
    return plsc.VectorSubcoreMesh(
        core_axis_name="c", subcore_axis_name="s",
        num_cores=_NC, num_subcores=_NS)


def _per_slab(s, copy_fn):
    r0 = pl.multiple_of(s * _SLAB, 8)

    @pl.when(s < _NS - 1)
    def _():
        copy_fn(r0, _SLAB)

    @pl.when(s == _NS - 1)
    def _():
        copy_fn(r0, _SLAB_LAST)


def _deg_body(dst_hbm, ones_hbm, out_hbm, idx_v, ones_v, acc, sem):
    c = lax.axis_index("c")
    s = lax.axis_index("s")
    _per_slab(s, lambda r0, nr: pltpu.sync_copy(
        ones_hbm.at[pl.ds(r0, nr)], acc.at[pl.ds(r0, nr)]))
    pltpu.sync_copy(ones_hbm.at[pl.ds(0, _KD)], ones_v)
    plsc.subcore_barrier()
    base = c * (_E // 2) + s * _EPT2

    def body(i, carry):
        off = base + i * _KD
        pltpu.sync_copy(dst_hbm.at[pl.ds(off, _KD)], idx_v)
        pltpu.sync_copy(ones_v, acc.at[idx_v], add=True)
        return carry

    lax.fori_loop(0, _EPT2 // _KD, body, 0)
    plsc.subcore_barrier()
    _per_slab(s, lambda r0, nr: pltpu.sync_copy(
        acc.at[pl.ds(r0, nr)], out_hbm.at[pl.ds(c * _N + r0, nr)]))


def _deg_call(dst, ones16):
    f = pl.kernel(
        _deg_body,
        out_type=jax.ShapeDtypeStruct((2 * _N, 16), jnp.float32),
        mesh=_sc_mesh(),
        compiler_params=pltpu.CompilerParams(use_tc_tiling_on_sc=False),
        scratch_types=[
            pltpu.VMEM((_KD,), jnp.int32),
            pltpu.VMEM((_KD, 16), jnp.float32),
            pltpu.VMEM_SHARED((_N, 16), jnp.float32),
            pltpu.SemaphoreType.DMA,
        ],
    )
    return f(dst, ones16)


def _edge_loop(table_hbm, sidx_hbm, didx_hbm, sbase, dbase, k, nit, acc,
               is0, id0, is1, id1, rows0, rows1, sem0, sem1):

    (sg0, ss0, sg1, ss1) = (sem0.at[0], sem0.at[1], sem1.at[0], sem1.at[1])

    def idx_load(i, isb, idb):
        pltpu.sync_copy(sidx_hbm.at[pl.ds(sbase + i * k, k)], isb)
        pltpu.sync_copy(didx_hbm.at[pl.ds(dbase + i * k, k)], idb)

    def gather_start(isb, rowsb, semb):
        pltpu.async_copy(table_hbm.at[isb], rowsb, semb)

    def gather_wait(isb, rowsb, semb):
        pltpu.make_async_copy(table_hbm.at[isb], rowsb, semb).wait()

    def scatter_start(rowsb, idb, semb):
        pltpu.async_copy(rowsb, acc.at[idb], semb, add=True)

    def scatter_wait(rowsb, idb, semb):
        pltpu.make_async_copy(rowsb, acc.at[idb], semb).wait()

    assert nit % 2 == 1 and nit >= 3

    def scatter(rowsb, idb):
        pltpu.sync_copy(rowsb, acc.at[idb], add=True)

    idx_load(0, is0, id0)
    gather_start(is0, rows0, sg0)

    def pair(j, carry):
        i1 = 2 * j + 1
        i2 = 2 * j + 2
        idx_load(i1, is1, id1)
        gather_start(is1, rows1, sg1)
        gather_wait(is0, rows0, sg0)
        scatter(rows0, id0)
        idx_load(i2, is0, id0)
        gather_start(is0, rows0, sg0)
        gather_wait(is1, rows1, sg1)
        scatter(rows1, id1)
        return carry

    lax.fori_loop(0, (nit - 1) // 2, pair, 0)
    gather_wait(is0, rows0, sg0)
    scatter(rows0, id0)


def _l1_body(y_hbm, src2_hbm, dst_hbm, out_hbm,
             is0, id0, is1, id1, rows0, rows1, acc, sem0, sem1):
    c = lax.axis_index("c")
    s = lax.axis_index("s")
    _per_slab(s, lambda r0, nr: pltpu.sync_copy(
        y_hbm.at[pl.ds(pl.multiple_of(c * _N + r0, 8), nr)],
        acc.at[pl.ds(r0, nr)]))
    plsc.subcore_barrier()
    _edge_loop(y_hbm, src2_hbm, dst_hbm, c * _E + s * _EPT1, s * _EPT1,
               _K1, _EPT1 // _K1, acc,
               is0, id0, is1, id1, rows0, rows1, sem0, sem1)
    plsc.subcore_barrier()
    _per_slab(s, lambda r0, nr: pltpu.sync_copy(
        acc.at[pl.ds(r0, nr)],
        out_hbm.at[pl.ds(pl.multiple_of(c * _N + r0, 8), nr)]))


def _l1_call(y1f, src2, dst):
    f = pl.kernel(
        _l1_body,
        out_type=jax.ShapeDtypeStruct((2 * _N, 32), jnp.float32),
        mesh=_sc_mesh(),
        compiler_params=pltpu.CompilerParams(use_tc_tiling_on_sc=False),
        scratch_types=[
            pltpu.VMEM((_K1,), jnp.int32),
            pltpu.VMEM((_K1,), jnp.int32),
            pltpu.VMEM((_K1,), jnp.int32),
            pltpu.VMEM((_K1,), jnp.int32),
            pltpu.VMEM((_K1, 32), jnp.float32),
            pltpu.VMEM((_K1, 32), jnp.float32),
            pltpu.VMEM_SHARED((_N, 32), jnp.float32),
            pltpu.SemaphoreType.DMA((2,)),
            pltpu.SemaphoreType.DMA((2,)),
        ],
    )
    return f(y1f, src2, dst)


def _l2_body(y2_hbm, src_hbm, dst_hbm, out_hbm,
             is0, id0, is1, id1, rows0, rows1, acc, sem0, sem1):
    c = lax.axis_index("c")
    s = lax.axis_index("s")
    _per_slab(s, lambda r0, nr: pltpu.sync_copy(
        y2_hbm.at[pl.ds(r0, nr)], acc.at[pl.ds(r0, nr)]))
    plsc.subcore_barrier()
    ebase = c * (_E // 2) + s * _EPT2
    _edge_loop(y2_hbm, src_hbm, dst_hbm, ebase, ebase,
               _K2, _EPT2 // _K2, acc,
               is0, id0, is1, id1, rows0, rows1, sem0, sem1)
    plsc.subcore_barrier()
    _per_slab(s, lambda r0, nr: pltpu.sync_copy(
        acc.at[pl.ds(r0, nr)],
        out_hbm.at[pl.ds(pl.multiple_of(c * _N + r0, 8), nr)]))


def _l2_call(y2, src, dst):
    f = pl.kernel(
        _l2_body,
        out_type=jax.ShapeDtypeStruct((2 * _N, 32), jnp.float32),
        mesh=_sc_mesh(),
        compiler_params=pltpu.CompilerParams(use_tc_tiling_on_sc=False),
        scratch_types=[
            pltpu.VMEM((_K2,), jnp.int32),
            pltpu.VMEM((_K2,), jnp.int32),
            pltpu.VMEM((_K2,), jnp.int32),
            pltpu.VMEM((_K2,), jnp.int32),
            pltpu.VMEM((_K2, 32), jnp.float32),
            pltpu.VMEM((_K2, 32), jnp.float32),
            pltpu.VMEM_SHARED((_N, 32), jnp.float32),
            pltpu.SemaphoreType.DMA((2,)),
            pltpu.SemaphoreType.DMA((2,)),
        ],
    )
    return f(y2, src, dst)


def _tcb_body(x_ref, w1_ref, degp_ref, y_ref, dinv_ref):
    deg = degp_ref[0, :, 0:1] + degp_ref[1, :, 0:1] - 1.0
    dinv = lax.rsqrt(deg)
    xb = x_ref[...]
    y_ref[0] = jnp.dot(xb, w1_ref[:, 0:32],
                       preferred_element_type=jnp.float32) * dinv
    y_ref[1] = jnp.dot(xb, w1_ref[:, 32:64],
                       preferred_element_type=jnp.float32) * dinv
    dinv_ref[...] = dinv


def _tcb_call(x, W1, degp3):
    grid = (_N // _BN,)
    return pl.pallas_call(
        _tcb_body,
        grid=grid,
        in_specs=[
            pl.BlockSpec((_BN, _IN), lambda i: (i, 0)),
            pl.BlockSpec((_IN, _HID), lambda i: (0, 0)),
            pl.BlockSpec((2, _BN, 16), lambda i: (0, i, 0)),
        ],
        out_specs=[
            pl.BlockSpec((2, _BN, 32), lambda i: (0, i, 0)),
            pl.BlockSpec((_BN, 1), lambda i: (i, 0)),
        ],
        out_shape=[
            jax.ShapeDtypeStruct((2, _N, 32), jnp.float32),
            jax.ShapeDtypeStruct((_N, 1), jnp.float32),
        ],
    )(x, W1, degp3)


def _tcd_body(acc1_ref, dinv_ref, b1_ref, w2_ref, y2_ref):
    dinv = dinv_ref[...]
    h1a = jnp.maximum(acc1_ref[0] * dinv + b1_ref[:, 0:32], 0.0)
    h1b = jnp.maximum(acc1_ref[1] * dinv + b1_ref[:, 32:64], 0.0)
    t = (jnp.dot(h1a, w2_ref[0:32, :], preferred_element_type=jnp.float32)
         + jnp.dot(h1b, w2_ref[32:64, :], preferred_element_type=jnp.float32))
    y2_ref[...] = t * dinv


def _tcd_call(acc1, dinv, b1r, W2):
    grid = (_N // _BN,)
    return pl.pallas_call(
        _tcd_body,
        grid=grid,
        in_specs=[
            pl.BlockSpec((2, _BN, 32), lambda i: (0, i, 0)),
            pl.BlockSpec((_BN, 1), lambda i: (i, 0)),
            pl.BlockSpec((1, _HID), lambda i: (0, 0)),
            pl.BlockSpec((_HID, _OUT), lambda i: (0, 0)),
        ],
        out_specs=pl.BlockSpec((_BN, _OUT), lambda i: (i, 0)),
        out_shape=jax.ShapeDtypeStruct((_N, _OUT), jnp.float32),
    )(acc1, dinv, b1r, W2)


def _tcf_body(acc2_ref, y2_ref, dinv_ref, batch_ref, b2_ref,
              f1w_ref, f1b_ref, f2w_ref, f2b_ref, out_ref, pooled, cnt):
    i = pl.program_id(0)

    @pl.when(i == 0)
    def _init():
        pooled[...] = jnp.zeros_like(pooled)
        cnt[...] = jnp.zeros_like(cnt)

    dinv = dinv_ref[...]
    h2 = (acc2_ref[0] + acc2_ref[1] - y2_ref[...]) * dinv + b2_ref[...]
    b = batch_ref[...]
    oh = (b == lax.broadcasted_iota(jnp.int32, (_BN, _G), 1)).astype(jnp.float32)
    pooled[...] += lax.dot_general(oh, h2, (((0,), (0,)), ((), ())),
                                   preferred_element_type=jnp.float32)
    cnt[...] += lax.dot_general(oh, jnp.ones((_BN, 1), jnp.float32),
                                (((0,), (0,)), ((), ())),
                                preferred_element_type=jnp.float32)

    @pl.when(i == pl.num_programs(0) - 1)
    def _fin():
        pm = pooled[...] / jnp.maximum(cnt[...], 1.0)
        o = jnp.maximum(
            jnp.dot(pm, f1w_ref[...], preferred_element_type=jnp.float32)
            + f1b_ref[...], 0.0)
        out_ref[...] = (jnp.dot(o, f2w_ref[...],
                                preferred_element_type=jnp.float32)
                        + f2b_ref[...])


def _tcf_call(acc2, y2, dinv, batch2, b2r, fc1_W, fc1b_r, fc2_W, fc2b_r):
    grid = (_N // _BN,)
    return pl.pallas_call(
        _tcf_body,
        grid=grid,
        in_specs=[
            pl.BlockSpec((2, _BN, 32), lambda i: (0, i, 0)),
            pl.BlockSpec((_BN, _OUT), lambda i: (i, 0)),
            pl.BlockSpec((_BN, 1), lambda i: (i, 0)),
            pl.BlockSpec((_BN, 1), lambda i: (i, 0)),
            pl.BlockSpec((1, _OUT), lambda i: (0, 0)),
            pl.BlockSpec((_OUT, _OUT), lambda i: (0, 0)),
            pl.BlockSpec((1, _OUT), lambda i: (0, 0)),
            pl.BlockSpec((_OUT, _OUT), lambda i: (0, 0)),
            pl.BlockSpec((1, _OUT), lambda i: (0, 0)),
        ],
        out_specs=pl.BlockSpec((_G, _OUT), lambda i: (0, 0)),
        out_shape=jax.ShapeDtypeStruct((_G, _OUT), jnp.float32),
        scratch_shapes=[
            pltpu.VMEM((_G, _OUT), jnp.float32),
            pltpu.VMEM((_G, 1), jnp.float32),
        ],
    )(acc2, y2, dinv, batch2, b2r, fc1_W, fc1b_r, fc2_W, fc2b_r)


def kernel(x, edge_index, batch, W1, b1, W2, b2, fc1_W, fc1_b, fc2_W, fc2_b):
    src = edge_index[0]
    dst = edge_index[1]
    src2 = jnp.concatenate([src, src + _N])
    ones16 = jnp.ones((_N, 16), jnp.float32)

    degp = _deg_call(dst, ones16)
    y1f, dinv = _tcb_call(x, W1, degp.reshape(2, _N, 16))
    acc1 = _l1_call(y1f.reshape(2 * _N, 32), src2, dst)
    y2 = _tcd_call(acc1.reshape(2, _N, 32), dinv, b1.reshape(1, _HID), W2)
    acc2 = _l2_call(y2, src, dst)
    out = _tcf_call(acc2.reshape(2, _N, 32), y2, dinv,
                    batch.reshape(_N, 1), b2.reshape(1, _OUT),
                    fc1_W, fc1_b.reshape(1, _OUT), fc2_W, fc2_b.reshape(1, _OUT))
    return out

# --- scband reference (transcript-rebuilt; emitter-appended) ---
"""Pipeline reference for scband-gnn-24326694765162 (READ-ONLY COPY).

The authoritative reference and input builder live on the scoring server;
editing this copy changes nothing except your own understanding.
"""

import jax, jax.numpy as jnp
import numpy as np

N = 50000
E = 800000
IN_CH = 128
HID_CH = 64
OUT_CH = 32
NUM_GRAPHS = 256


def gcn_conv(x, edge_index, W, b):
    n = x.shape[0]
    h = x @ W
    loop = jnp.arange(n, dtype=edge_index.dtype)
    src = jnp.concatenate([edge_index[0], loop])
    dst = jnp.concatenate([edge_index[1], loop])
    deg = jnp.zeros((n,), h.dtype).at[dst].add(1.0)
    dinv = jnp.where(deg > 0, jax.lax.rsqrt(deg), 0.0)
    norm = dinv[src] * dinv[dst]
    msg = h[src] * norm[:, None]
    out = jnp.zeros((n, h.shape[1]), h.dtype).at[dst].add(msg)
    return out + b


def setup_inputs(seed: int = 0) -> dict:
    key = jax.random.key(seed)
    ks = jax.random.split(key, 12)
    x = jax.random.normal(ks[0], (N, IN_CH), dtype=jnp.float32)
    edge_index = jax.random.randint(ks[1], (2, E), 0, N, dtype=jnp.int32)
    batch = jnp.sort(jax.random.randint(ks[2], (N,), 0, NUM_GRAPHS, dtype=jnp.int32))
    W1 = jax.random.normal(ks[3], (IN_CH, HID_CH), dtype=jnp.float32) * (1.0 / np.sqrt(IN_CH))
    b1 = jnp.zeros((HID_CH,), jnp.float32)
    W2 = jax.random.normal(ks[4], (HID_CH, OUT_CH), dtype=jnp.float32) * (1.0 / np.sqrt(HID_CH))
    b2 = jnp.zeros((OUT_CH,), jnp.float32)
    fc1_W = jax.random.normal(ks[5], (OUT_CH, OUT_CH), dtype=jnp.float32) * (1.0 / np.sqrt(OUT_CH))
    fc1_b = jnp.zeros((OUT_CH,), jnp.float32)
    fc2_W = jax.random.normal(ks[6], (OUT_CH, OUT_CH), dtype=jnp.float32) * (1.0 / np.sqrt(OUT_CH))
    fc2_b = jnp.zeros((OUT_CH,), jnp.float32)
    return {"x": x, "edge_index": edge_index, "batch": batch,
            "W1": W1, "b1": b1, "W2": W2, "b2": b2,
            "fc1_W": fc1_W, "fc1_b": fc1_b, "fc2_W": fc2_W, "fc2_b": fc2_b}


def reference(x, edge_index, batch, W1, b1, W2, b2, fc1_W, fc1_b, fc2_W, fc2_b):
    h = jax.nn.relu(gcn_conv(x, edge_index, W1, b1))
    h = gcn_conv(h, edge_index, W2, b2)
    sums = jax.ops.segment_sum(h, batch, num_segments=NUM_GRAPHS)
    cnts = jax.ops.segment_sum(jnp.ones((h.shape[0], 1), h.dtype), batch, num_segments=NUM_GRAPHS)
    pooled = sums / jnp.maximum(cnts, 1.0)
    out = jax.nn.relu(pooled @ fc1_W + fc1_b)
    out = out @ fc2_W + fc2_b
    return out

if __name__ == "__main__":
    import jax
    _d = setup_inputs()
    print(jax.jit(kernel)(*tuple(_d.values())))

</pallas_src>

<mosaic_0001>
#map = affine_map<(d0, d1) -> (0)>
#map1 = affine_map<(d0, d1) -> (0, 0)>
module attributes {stable_mosaic.version = 14 : i64} {
  func.func @_deg_body(%arg0: i32, %arg1: i32, %arg2: memref<800000xi32, #tpu.memory_space<hbm>>, %arg3: memref<50000x16xf32, #tpu.memory_space<hbm>>, %arg4: memref<100000x16xf32, #tpu.memory_space<hbm>>, %arg5: memref<1000xi32, #tpu.memory_space<vmem>>, %arg6: memref<1000x16xf32, #tpu.memory_space<vmem>>, %arg7: memref<50000x16xf32, #tpu.memory_space<vmem_shared>>, %arg8: memref<!tpu.dma_semaphore, #tpu.memory_space<semaphore_mem>>) attributes {dimension_semantics = [#tpu.dimension_semantics<core_parallel>, #tpu.dimension_semantics<subcore_parallel>], iteration_bounds = array<i64: 2, 16>, scalar_prefetch = 0 : i64, scratch_operands = 4 : i64, tpu.core_type = #tpu.core_type<sc_vector_subcore>, window_params = [{transform_indices = #map}, {transform_indices = #map1}, {transform_indices = #map1}]} {
    %mul3A = arith.constant 3128 : i32
    %mul3A_0 = arith.muli %arg1, %mul3A : i32
    %multiple_of3A = tpu.assume_multiple %mul3A_0, 8 : i32
    %lt3A = arith.constant 15 : i32
    %lt3A_1 = arith.cmpi slt, %arg1, %lt3A : i32
    %convert_element_type3A = arith.extui %lt3A_1 : i1 to i32
    %cond3A = arith.constant 0 : i32
    %cond3A_2 = arith.cmpi ne, %convert_element_type3A, %cond3A : i32
    scf.if %cond3A_2 {
      "tpu.region"() ({
        %run_scoped3A = tpu.sem_alloc : memref<!tpu.dma_semaphore, #tpu.memory_space<semaphore_mem>>
        %dma_start3A = arith.constant 0 : i32
        %dma_start3A_30 = tpu.memref_slice %arg7[%multiple_of3A, %dma_start3A] : memref<50000x16xf32, #tpu.memory_space<vmem_shared>> -> memref<3128x16xf32, #tpu.memory_space<vmem_shared>>
        %dma_start3A_31 = arith.constant 0 : i32
        %dma_start3A_32 = tpu.memref_slice %arg3[%multiple_of3A, %dma_start3A_31] : memref<50000x16xf32, #tpu.memory_space<hbm>> -> memref<3128x16xf32, #tpu.memory_space<hbm>>
        tpu.enqueue_dma source(%dma_start3A_32 : memref<3128x16xf32, #tpu.memory_space<hbm>>) target(%dma_start3A_30 : memref<3128x16xf32, #tpu.memory_space<vmem_shared>>) target_semaphore(%run_scoped3A : memref<!tpu.dma_semaphore, #tpu.memory_space<semaphore_mem>>)
        %dma_wait3A = arith.constant 0 : i32
        %dma_wait3A_33 = tpu.memref_slice %arg7[%multiple_of3A, %dma_wait3A] : memref<50000x16xf32, #tpu.memory_space<vmem_shared>> -> memref<3128x16xf32, #tpu.memory_space<vmem_shared>>
        %dma_wait3A_34 = arith.constant 0 : i32
        %dma_wait3A_35 = tpu.memref_slice %arg3[%multiple_of3A, %dma_wait3A_34] : memref<50000x16xf32, #tpu.memory_space<hbm>> -> memref<3128x16xf32, #tpu.memory_space<hbm>>
        tpu.wait_dma2 semaphore(%run_scoped3A : memref<!tpu.dma_semaphore, #tpu.memory_space<semaphore_mem>>) src(%dma_wait3A_35 : memref<3128x16xf32, #tpu.memory_space<hbm>>) dst(%dma_wait3A_33 : memref<3128x16xf32, #tpu.memory_space<vmem_shared>>)
        tpu.yield
      }) : () -> ()
    } else {
    }
    %eq3A = arith.constant 15 : i32
    %eq3A_3 = arith.cmpi eq, %arg1, %eq3A : i32
    %convert_element_type3A_4 = arith.extui %eq3A_3 : i1 to i32
    %cond3A_5 = arith.constant 0 : i32
    %cond3A_6 = arith.cmpi ne, %convert_element_type3A_4, %cond3A_5 : i32
    scf.if %cond3A_6 {
      "tpu.region"() ({
        %run_scoped3A = tpu.sem_alloc : memref<!tpu.dma_semaphore, #tpu.memory_space<semaphore_mem>>
        %dma_start3A = arith.constant 0 : i32
        %dma_start3A_30 = tpu.memref_slice %arg7[%multiple_of3A, %dma_start3A] : memref<50000x16xf32, #tpu.memory_space<vmem_shared>> -> memref<3080x16xf32, #tpu.memory_space<vmem_shared>>
        %dma_start3A_31 = arith.constant 0 : i32
        %dma_start3A_32 = tpu.memref_slice %arg3[%multiple_of3A, %dma_start3A_31] : memref<50000x16xf32, #tpu.memory_space<hbm>> -> memref<3080x16xf32, #tpu.memory_space<hbm>>
        tpu.enqueue_dma source(%dma_start3A_32 : memref<3080x16xf32, #tpu.memory_space<hbm>>) target(%dma_start3A_30 : memref<3080x16xf32, #tpu.memory_space<vmem_shared>>) target_semaphore(%run_scoped3A : memref<!tpu.dma_semaphore, #tpu.memory_space<semaphore_mem>>)
        %dma_wait3A = arith.constant 0 : i32
        %dma_wait3A_33 = tpu.memref_slice %arg7[%multiple_of3A, %dma_wait3A] : memref<50000x16xf32, #tpu.memory_space<vmem_shared>> -> memref<3080x16xf32, #tpu.memory_space<vmem_shared>>
        %dma_wait3A_34 = arith.constant 0 : i32
        %dma_wait3A_35 = tpu.memref_slice %arg3[%multiple_of3A, %dma_wait3A_34] : memref<50000x16xf32, #tpu.memory_space<hbm>> -> memref<3080x16xf32, #tpu.memory_space<hbm>>
        tpu.wait_dma2 semaphore(%run_scoped3A : memref<!tpu.dma_semaphore, #tpu.memory_space<semaphore_mem>>) src(%dma_wait3A_35 : memref<3080x16xf32, #tpu.memory_space<hbm>>) dst(%dma_wait3A_33 : memref<3080x16xf32, #tpu.memory_space<vmem_shared>>)
        tpu.yield
      }) : () -> ()
    } else {
    }
    "tpu.region"() ({
      %run_scoped3A = tpu.sem_alloc : memref<!tpu.dma_semaphore, #tpu.memory_space<semaphore_mem>>
      %dma_start3A = arith.constant 0 : i32
      %dma_start3A_30 = arith.constant 0 : i32
      %dma_start3A_31 = tpu.memref_slice %arg3[%dma_start3A, %dma_start3A_30] : memref<50000x16xf32, #tpu.memory_space<hbm>> -> memref<1000x16xf32, #tpu.memory_space<hbm>>
      %dma_start3A_32 = arith.constant 0 : i32
      %dma_start3A_33 = arith.constant 0 : i32
      %dma_start3A_34 = tpu.memref_slice %arg3[%dma_start3A_32, %dma_start3A_33] : memref<50000x16xf32, #tpu.memory_space<hbm>> -> memref<1000x16xf32, #tpu.memory_space<hbm>>
      tpu.enqueue_dma source(%dma_start3A_34 : memref<1000x16xf32, #tpu.memory_space<hbm>>) target(%arg6 : memref<1000x16xf32, #tpu.memory_space<vmem>>) target_semaphore(%run_scoped3A : memref<!tpu.dma_semaphore, #tpu.memory_space<semaphore_mem>>)
      %dma_wait3A = arith.constant 0 : i32
      %dma_wait3A_35 = arith.constant 0 : i32
      %dma_wait3A_36 = tpu.memref_slice %arg3[%dma_wait3A, %dma_wait3A_35] : memref<50000x16xf32, #tpu.memory_space<hbm>> -> memref<1000x16xf32, #tpu.memory_space<hbm>>
      %dma_wait3A_37 = arith.constant 0 : i32
      %dma_wait3A_38 = arith.constant 0 : i32
      %dma_wait3A_39 = tpu.memref_slice %arg3[%dma_wait3A_37, %dma_wait3A_38] : memref<50000x16xf32, #tpu.memory_space<hbm>> -> memref<1000x16xf32, #tpu.memory_space<hbm>>
      tpu.wait_dma2 semaphore(%run_scoped3A : memref<!tpu.dma_semaphore, #tpu.memory_space<semaphore_mem>>) src(%dma_wait3A_39 : memref<1000x16xf32, #tpu.memory_space<hbm>>) dst(%arg6 : memref<1000x16xf32, #tpu.memory_space<vmem>>)
      tpu.yield
    }) : () -> ()
    %barrier3A = arith.constant 0 : index
    tpu.barrier barrier_id(%barrier3A)
    %mul3A_7 = arith.constant 400000 : i32
    %mul3A_8 = arith.muli %arg0, %mul3A_7 : i32
    %mul3A_9 = arith.constant 25000 : i32
    %mul3A_10 = arith.muli %arg1, %mul3A_9 : i32
    %add3A = arith.addi %mul3A_8, %mul3A_10 : i32
    %scan3A = arith.constant 0 : i32
    %scan3A_11 = arith.constant 0 : i32
    %scan3A_12 = arith.constant 25 : i32
    %scan3A_13 = arith.addi %scan3A_11, %scan3A_12 : i32
    %scan3A_14 = arith.constant 1 : i32
    scf.for %scan3A_30 = %scan3A_11 to %scan3A_13 step %scan3A_14  : i32 {
      %mul3A_31 = arith.constant 1000 : i32
      %mul3A_32 = arith.muli %scan3A_30, %mul3A_31 : i32
      %add3A_33 = arith.addi %add3A, %mul3A_32 : i32
      "tpu.region"() ({
        %run_scoped3A = tpu.sem_alloc : memref<!tpu.dma_semaphore, #tpu.memory_space<semaphore_mem>>
        %dma_start3A = tpu.memref_slice %arg2[%add3A_33] : memref<800000xi32, #tpu.memory_space<hbm>> -> memref<1000xi32, #tpu.memory_space<hbm>>
        %dma_start3A_34 = tpu.memref_slice %arg2[%add3A_33] : memref<800000xi32, #tpu.memory_space<hbm>> -> memref<1000xi32, #tpu.memory_space<hbm>>
        tpu.enqueue_dma source(%dma_start3A_34 : memref<1000xi32, #tpu.memory_space<hbm>>) target(%arg5 : memref<1000xi32, #tpu.memory_space<vmem>>) target_semaphore(%run_scoped3A : memref<!tpu.dma_semaphore, #tpu.memory_space<semaphore_mem>>)
        %dma_wait3A = tpu.memref_slice %arg2[%add3A_33] : memref<800000xi32, #tpu.memory_space<hbm>> -> memref<1000xi32, #tpu.memory_space<hbm>>
        %dma_wait3A_35 = tpu.memref_slice %arg2[%add3A_33] : memref<800000xi32, #tpu.memory_space<hbm>> -> memref<1000xi32, #tpu.memory_space<hbm>>
        tpu.wait_dma2 semaphore(%run_scoped3A : memref<!tpu.dma_semaphore, #tpu.memory_space<semaphore_mem>>) src(%dma_wait3A_35 : memref<1000xi32, #tpu.memory_space<hbm>>) dst(%arg5 : memref<1000xi32, #tpu.memory_space<vmem>>)
        tpu.yield
      }) : () -> ()
      "tpu.region"() ({
        %run_scoped3A = tpu.sem_alloc : memref<!tpu.dma_semaphore, #tpu.memory_space<semaphore_mem>>
        %dma_start3A = arith.constant 0 : i32
        %dma_start3A_34 = arith.constant 0 : i32
        %dma_start3A_35 = tpu.memref_slice %arg7[%dma_start3A, %dma_start3A_34] : memref<50000x16xf32, #tpu.memory_space<vmem_shared>> -> memref<50000x16xf32, #tpu.memory_space<vmem_shared>>
        tpu.enqueue_indirect_dma source(%arg6 : memref<1000x16xf32, #tpu.memory_space<vmem>>) target(%dma_start3A_35 : memref<50000x16xf32, #tpu.memory_space<vmem_shared>>) offsets(%arg5 : memref<1000xi32, #tpu.memory_space<vmem>>) semaphore(%run_scoped3A : memref<!tpu.dma_semaphore, #tpu.memory_space<semaphore_mem>>) {add = true}
        %dma_wait3A = arith.constant 0 : i32
        %dma_wait3A_36 = arith.constant 0 : i32
        %dma_wait3A_37 = tpu.memref_slice %arg7[%dma_wait3A, %dma_wait3A_36] : memref<50000x16xf32, #tpu.memory_space<vmem_shared>> -> memref<50000x16xf32, #tpu.memory_space<vmem_shared>>
        tpu.wait_indirect_dma semaphore(%run_scoped3A : memref<!tpu.dma_semaphore, #tpu.memory_space<semaphore_mem>>) src(%arg6 : memref<1000x16xf32, #tpu.memory_space<vmem>>) dst(%dma_wait3A_37 : memref<50000x16xf32, #tpu.memory_space<vmem_shared>>)
        tpu.yield
      }) : () -> ()
    }
    %scan3A_15 = arith.constant 25 : i32
    %barrier3A_16 = arith.constant 0 : index
    tpu.barrier barrier_id(%barrier3A_16)
    %mul3A_17 = arith.constant 3128 : i32
    %mul3A_18 = arith.muli %arg1, %mul3A_17 : i32
    %multiple_of3A_19 = tpu.assume_multiple %mul3A_18, 8 : i32
    %lt3A_20 = arith.constant 15 : i32
    %lt3A_21 = arith.cmpi slt, %arg1, %lt3A_20 : i32
    %convert_element_type3A_22 = arith.extui %lt3A_21 : i1 to i32
    %cond3A_23 = arith.constant 0 : i32
    %cond3A_24 = arith.cmpi ne, %convert_element_type3A_22, %cond3A_23 : i32
    scf.if %cond3A_24 {
      %mul3A_30 = arith.constant 50000 : i32
      %mul3A_31 = arith.muli %arg0, %mul3A_30 : i32
      %add3A_32 = arith.addi %mul3A_31, %multiple_of3A_19 : i32
      "tpu.region"() ({
        %run_scoped3A = tpu.sem_alloc : memref<!tpu.dma_semaphore, #tpu.memory_space<semaphore_mem>>
        %dma_start3A = arith.constant 0 : i32
        %dma_start3A_33 = tpu.memref_slice %arg4[%add3A_32, %dma_start3A] : memref<100000x16xf32, #tpu.memory_space<hbm>> -> memref<3128x16xf32, #tpu.memory_space<hbm>>
        %dma_start3A_34 = arith.constant 0 : i32
        %dma_start3A_35 = tpu.memref_slice %arg7[%multiple_of3A_19, %dma_start3A_34] : memref<50000x16xf32, #tpu.memory_space<vmem_shared>> -> memref<3128x16xf32, #tpu.memory_space<vmem_shared>>
        tpu.enqueue_dma source(%dma_start3A_35 : memref<3128x16xf32, #tpu.memory_space<vmem_shared>>) target(%dma_start3A_33 : memref<3128x16xf32, #tpu.memory_space<hbm>>) target_semaphore(%run_scoped3A : memref<!tpu.dma_semaphore, #tpu.memory_space<semaphore_mem>>)
        %dma_wait3A = arith.constant 0 : i32
        %dma_wait3A_36 = tpu.memref_slice %arg4[%add3A_32, %dma_wait3A] : memref<100000x16xf32, #tpu.memory_space<hbm>> -> memref<3128x16xf32, #tpu.memory_space<hbm>>
        %dma_wait3A_37 = arith.constant 0 : i32
        %dma_wait3A_38 = tpu.memref_slice %arg7[%multiple_of3A_19, %dma_wait3A_37] : memref<50000x16xf32, #tpu.memory_space<vmem_shared>> -> memref<3128x16xf32, #tpu.memory_space<vmem_shared>>
        tpu.wait_dma2 semaphore(%run_scoped3A : memref<!tpu.dma_semaphore, #tpu.memory_space<semaphore_mem>>) src(%dma_wait3A_38 : memref<3128x16xf32, #tpu.memory_space<vmem_shared>>) dst(%dma_wait3A_36 : memref<3128x16xf32, #tpu.memory_space<hbm>>)
        tpu.yield
      }) : () -> ()
    } else {
    }
    %eq3A_25 = arith.constant 15 : i32
    %eq3A_26 = arith.cmpi eq, %arg1, %eq3A_25 : i32
    %convert_element_type3A_27 = arith.extui %eq3A_26 : i1 to i32
    %cond3A_28 = arith.constant 0 : i32
    %cond3A_29 = arith.cmpi ne, %convert_element_type3A_27, %cond3A_28 : i32
    scf.if %cond3A_29 {
      %mul3A_30 = arith.constant 50000 : i32
      %mul3A_31 = arith.muli %arg0, %mul3A_30 : i32
      %add3A_32 = arith.addi %mul3A_31, %multiple_of3A_19 : i32
      "tpu.region"() ({
        %run_scoped3A = tpu.sem_alloc : memref<!tpu.dma_semaphore, #tpu.memory_space<semaphore_mem>>
        %dma_start3A = arith.constant 0 : i32
        %dma_start3A_33 = tpu.memref_slice %arg4[%add3A_32, %dma_start3A] : memref<100000x16xf32, #tpu.memory_space<hbm>> -> memref<3080x16xf32, #tpu.memory_space<hbm>>
        %dma_start3A_34 = arith.constant 0 : i32
        %dma_start3A_35 = tpu.memref_slice %arg7[%multiple_of3A_19, %dma_start3A_34] : memref<50000x16xf32, #tpu.memory_space<vmem_shared>> -> memref<3080x16xf32, #tpu.memory_space<vmem_shared>>
        tpu.enqueue_dma source(%dma_start3A_35 : memref<3080x16xf32, #tpu.memory_space<vmem_shared>>) target(%dma_start3A_33 : memref<3080x16xf32, #tpu.memory_space<hbm>>) target_semaphore(%run_scoped3A : memref<!tpu.dma_semaphore, #tpu.memory_space<semaphore_mem>>)
        %dma_wait3A = arith.constant 0 : i32
        %dma_wait3A_36 = tpu.memref_slice %arg4[%add3A_32, %dma_wait3A] : memref<100000x16xf32, #tpu.memory_space<hbm>> -> memref<3080x16xf32, #tpu.memory_space<hbm>>
        %dma_wait3A_37 = arith.constant 0 : i32
        %dma_wait3A_38 = tpu.memref_slice %arg7[%multiple_of3A_19, %dma_wait3A_37] : memref<50000x16xf32, #tpu.memory_space<vmem_shared>> -> memref<3080x16xf32, #tpu.memory_space<vmem_shared>>
        tpu.wait_dma2 semaphore(%run_scoped3A : memref<!tpu.dma_semaphore, #tpu.memory_space<semaphore_mem>>) src(%dma_wait3A_38 : memref<3080x16xf32, #tpu.memory_space<vmem_shared>>) dst(%dma_wait3A_36 : memref<3080x16xf32, #tpu.memory_space<hbm>>)
        tpu.yield
      }) : () -> ()
    } else {
    }
    return
  }
}

#map = affine_map<(d0, d1) -> (0, 0)>
#map1 = affine_map<(d0, d1) -> (0)>
module attributes {stable_mosaic.version = 14 : i64} {
  func.func @_l2_body(%arg0: i32, %arg1: i32, %arg2: memref<50000x32xf32, #tpu.memory_space<hbm>>, %arg3: memref<800000xi32, #tpu.memory_space<hbm>>, %arg4: memref<800000xi32, #tpu.memory_space<hbm>>, %arg5: memref<100000x32xf32, #tpu.memory_space<hbm>>, %arg6: memref<200xi32, #tpu.memory_space<vmem>>, %arg7: memref<200xi32, #tpu.memory_space<vmem>>, %arg8: memref<200xi32, #tpu.memory_space<vmem>>, %arg9: memref<200xi32, #tpu.memory_space<vmem>>, %arg10: memref<200x32xf32, #tpu.memory_space<vmem>>, %arg11: memref<200x32xf32, #tpu.memory_space<vmem>>, %arg12: memref<50000x32xf32, #tpu.memory_space<vmem_shared>>, %arg13: memref<2x!tpu.dma_semaphore, #tpu.memory_space<semaphore_mem>>, %arg14: memref<2x!tpu.dma_semaphore, #tpu.memory_space<semaphore_mem>>) attributes {dimension_semantics = [#tpu.dimension_semantics<core_parallel>, #tpu.dimension_semantics<subcore_parallel>], iteration_bounds = array<i64: 2, 16>, scalar_prefetch = 0 : i64, scratch_operands = 9 : i64, tpu.core_type = #tpu.core_type<sc_vector_subcore>, window_params = [{transform_indices = #map}, {transform_indices = #map1}, {transform_indices = #map1}, {transform_indices = #map}]} {
    %mul3A = arith.constant 3128 : i32
    %mul3A_0 = arith.muli %arg1, %mul3A : i32
    %multiple_of3A = tpu.assume_multiple %mul3A_0, 8 : i32
    %lt3A = arith.constant 15 : i32
    %lt3A_1 = arith.cmpi slt, %arg1, %lt3A : i32
    %convert_element_type3A = arith.extui %lt3A_1 : i1 to i32
    %cond3A = arith.constant 0 : i32
    %cond3A_2 = arith.cmpi ne, %convert_element_type3A, %cond3A : i32
    scf.if %cond3A_2 {
      "tpu.region"() ({
        %run_scoped3A = tpu.sem_alloc : memref<!tpu.dma_semaphore, #tpu.memory_space<semaphore_mem>>
        %dma_start3A_46 = arith.constant 0 : i32
        %dma_start3A_47 = tpu.memref_slice %arg12[%multiple_of3A, %dma_start3A_46] : memref<50000x32xf32, #tpu.memory_space<vmem_shared>> -> memref<3128x32xf32, #tpu.memory_space<vmem_shared>>
        %dma_start3A_48 = arith.constant 0 : i32
        %dma_start3A_49 = tpu.memref_slice %arg2[%multiple_of3A, %dma_start3A_48] : memref<50000x32xf32, #tpu.memory_space<hbm>> -> memref<3128x32xf32, #tpu.memory_space<hbm>>
        tpu.enqueue_dma source(%dma_start3A_49 : memref<3128x32xf32, #tpu.memory_space<hbm>>) target(%dma_start3A_47 : memref<3128x32xf32, #tpu.memory_space<vmem_shared>>) target_semaphore(%run_scoped3A : memref<!tpu.dma_semaphore, #tpu.memory_space<semaphore_mem>>)
        %dma_wait3A_50 = arith.constant 0 : i32
        %dma_wait3A_51 = tpu.memref_slice %arg12[%multiple_of3A, %dma_wait3A_50] : memref<50000x32xf32, #tpu.memory_space<vmem_shared>> -> memref<3128x32xf32, #tpu.memory_space<vmem_shared>>
        %dma_wait3A_52 = arith.constant 0 : i32
        %dma_wait3A_53 = tpu.memref_slice %arg2[%multiple_of3A, %dma_wait3A_52] : memref<50000x32xf32, #tpu.memory_space<hbm>> -> memref<3128x32xf32, #tpu.memory_space<hbm>>
        tpu.wait_dma2 semaphore(%run_scoped3A : memref<!tpu.dma_semaphore, #tpu.memory_space<semaphore_mem>>) src(%dma_wait3A_53 : memref<3128x32xf32, #tpu.memory_space<hbm>>) dst(%dma_wait3A_51 : memref<3128x32xf32, #tpu.memory_space<vmem_shared>>)
        tpu.yield
      }) : () -> ()
    } else {
    }
    %eq3A = arith.constant 15 : i32
    %eq3A_3 = arith.cmpi eq, %arg1, %eq3A : i32
    %convert_element_type3A_4 = arith.extui %eq3A_3 : i1 to i32
    %cond3A_5 = arith.constant 0 : i32
    %cond3A_6 = arith.cmpi ne, %convert_element_type3A_4, %cond3A_5 : i32
    scf.if %cond3A_6 {
      "tpu.region"() ({
        %run_scoped3A = tpu.sem_alloc : memref<!tpu.dma_semaphore, #tpu.memory_space<semaphore_mem>>
        %dma_start3A_46 = arith.constant 0 : i32
        %dma_start3A_47 = tpu.memref_slice %arg12[%multiple_of3A, %dma_start3A_46] : memref<50000x32xf32, #tpu.memory_space<vmem_shared>> -> memref<3080x32xf32, #tpu.memory_space<vmem_shared>>
        %dma_start3A_48 = arith.constant 0 : i32
        %dma_start3A_49 = tpu.memref_slice %arg2[%multiple_of3A, %dma_start3A_48] : memref<50000x32xf32, #tpu.memory_space<hbm>> -> memref<3080x32xf32, #tpu.memory_space<hbm>>
        tpu.enqueue_dma source(%dma_start3A_49 : memref<3080x32xf32, #tpu.memory_space<hbm>>) target(%dma_start3A_47 : memref<3080x32xf32, #tpu.memory_space<vmem_shared>>) target_semaphore(%run_scoped3A : memref<!tpu.dma_semaphore, #tpu.memory_space<semaphore_mem>>)
        %dma_wait3A_50 = arith.constant 0 : i32
        %dma_wait3A_51 = tpu.memref_slice %arg12[%multiple_of3A, %dma_wait3A_50] : memref<50000x32xf32, #tpu.memory_space<vmem_shared>> -> memref<3080x32xf32, #tpu.memory_space<vmem_shared>>
        %dma_wait3A_52 = arith.constant 0 : i32
        %dma_wait3A_53 = tpu.memref_slice %arg2[%multiple_of3A, %dma_wait3A_52] : memref<50000x32xf32, #tpu.memory_space<hbm>> -> memref<3080x32xf32, #tpu.memory_space<hbm>>
        tpu.wait_dma2 semaphore(%run_scoped3A : memref<!tpu.dma_semaphore, #tpu.memory_space<semaphore_mem>>) src(%dma_wait3A_53 : memref<3080x32xf32, #tpu.memory_space<hbm>>) dst(%dma_wait3A_51 : memref<3080x32xf32, #tpu.memory_space<vmem_shared>>)
        tpu.yield
      }) : () -> ()
    } else {
    }
    %barrier3A = arith.constant 0 : index
    tpu.barrier barrier_id(%barrier3A)
    %mul3A_7 = arith.constant 400000 : i32
    %mul3A_8 = arith.muli %arg0, %mul3A_7 : i32
    %mul3A_9 = arith.constant 25000 : i32
    %mul3A_10 = arith.muli %arg1, %mul3A_9 : i32
    %add3A = arith.addi %mul3A_8, %mul3A_10 : i32
    %add3A_11 = arith.constant 0 : i32
    %add3A_12 = arith.addi %add3A, %add3A_11 : i32
    "tpu.region"() ({
      %run_scoped3A = tpu.sem_alloc : memref<!tpu.dma_semaphore, #tpu.memory_space<semaphore_mem>>
      %dma_start3A_46 = tpu.memref_slice %arg3[%add3A_12] : memref<800000xi32, #tpu.memory_space<hbm>> -> memref<200xi32, #tpu.memory_space<hbm>>
      %dma_start3A_47 = tpu.memref_slice %arg3[%add3A_12] : memref<800000xi32, #tpu.memory_space<hbm>> -> memref<200xi32, #tpu.memory_space<hbm>>
      tpu.enqueue_dma source(%dma_start3A_47 : memref<200xi32, #tpu.memory_space<hbm>>) target(%arg6 : memref<200xi32, #tpu.memory_space<vmem>>) target_semaphore(%run_scoped3A : memref<!tpu.dma_semaphore, #tpu.memory_space<semaphore_mem>>)
      %dma_wait3A_48 = tpu.memref_slice %arg3[%add3A_12] : memref<800000xi32, #tpu.memory_space<hbm>> -> memref<200xi32, #tpu.memory_space<hbm>>
      %dma_wait3A_49 = tpu.memref_slice %arg3[%add3A_12] : memref<800000xi32, #tpu.memory_space<hbm>> -> memref<200xi32, #tpu.memory_space<hbm>>
      tpu.wait_dma2 semaphore(%run_scoped3A : memref<!tpu.dma_semaphore, #tpu.memory_space<semaphore_mem>>) src(%dma_wait3A_49 : memref<200xi32, #tpu.memory_space<hbm>>) dst(%arg6 : memref<200xi32, #tpu.memory_space<vmem>>)
      tpu.yield
    }) : () -> ()
    %add3A_13 = arith.constant 0 : i32
    %add3A_14 = arith.addi %add3A, %add3A_13 : i32
    "tpu.region"() ({
      %run_scoped3A = tpu.sem_alloc : memref<!tpu.dma_semaphore, #tpu.memory_space<semaphore_mem>>
      %dma_start3A_46 = tpu.memref_slice %arg4[%add3A_14] : memref<800000xi32, #tpu.memory_space<hbm>> -> memref<200xi32, #tpu.memory_space<hbm>>
      %dma_start3A_47 = tpu.memref_slice %arg4[%add3A_14] : memref<800000xi32, #tpu.memory_space<hbm>> -> memref<200xi32, #tpu.memory_space<hbm>>
      tpu.enqueue_dma source(%dma_start3A_47 : memref<200xi32, #tpu.memory_space<hbm>>) target(%arg7 : memref<200xi32, #tpu.memory_space<vmem>>) target_semaphore(%run_scoped3A : memref<!tpu.dma_semaphore, #tpu.memory_space<semaphore_mem>>)
      %dma_wait3A_48 = tpu.memref_slice %arg4[%add3A_14] : memref<800000xi32, #tpu.memory_space<hbm>> -> memref<200xi32, #tpu.memory_space<hbm>>
      %dma_wait3A_49 = tpu.memref_slice %arg4[%add3A_14] : memref<800000xi32, #tpu.memory_space<hbm>> -> memref<200xi32, #tpu.memory_space<hbm>>
      tpu.wait_dma2 semaphore(%run_scoped3A : memref<!tpu.dma_semaphore, #tpu.memory_space<semaphore_mem>>) src(%dma_wait3A_49 : memref<200xi32, #tpu.memory_space<hbm>>) dst(%arg7 : memref<200xi32, #tpu.memory_space<vmem>>)
      tpu.yield
    }) : () -> ()
    %dma_start3A = arith.constant 0 : i32
    %dma_start3A_15 = arith.constant 0 : i32
    %dma_start3A_16 = arith.constant 0 : i32
    %dma_start3A_17 = tpu.memref_slice %arg2[%dma_start3A_15, %dma_start3A_16] : memref<50000x32xf32, #tpu.memory_space<hbm>> -> memref<50000x32xf32, #tpu.memory_space<hbm>>
    %dma_start3A_18 = tpu.memref_slice %arg13[%dma_start3A] : memref<2x!tpu.dma_semaphore, #tpu.memory_space<semaphore_mem>> -> memref<1x!tpu.dma_semaphore, #tpu.memory_space<semaphore_mem>>
    %dma_start3A_19 = tpu.memref_squeeze %dma_start3A_18 : memref<1x!tpu.dma_semaphore, #tpu.memory_space<semaphore_mem>> -> memref<!tpu.dma_semaphore, #tpu.memory_space<semaphore_mem>>
    tpu.enqueue_indirect_dma source(%dma_start3A_17 : memref<50000x32xf32, #tpu.memory_space<hbm>>) target(%arg10 : memref<200x32xf32, #tpu.memory_space<vmem>>) offsets(%arg6 : memref<200xi32, #tpu.memory_space<vmem>>) semaphore(%dma_start3A_19 : memref<!tpu.dma_semaphore, #tpu.memory_space<semaphore_mem>>)
    %scan3A = arith.constant 0 : i32
    %scan3A_20 = arith.constant 0 : i32
    %scan3A_21 = arith.constant 0 : i32
    %scan3A_22 = arith.constant 0 : i32
    %scan3A_23 = arith.constant 62 : i32
    %scan3A_24 = arith.addi %scan3A_22, %scan3A_23 : i32
    %scan3A_25 = arith.constant 1 : i32
    scf.for %scan3A_46 = %scan3A_22 to %scan3A_24 step %scan3A_25  : i32 {
      %mul3A_47 = arith.constant 2 : i32
      %mul3A_48 = arith.muli %mul3A_47, %scan3A_46 : i32
      %add3A_49 = arith.constant 1 : i32
      %add3A_50 = arith.addi %mul3A_48, %add3A_49 : i32
      %mul3A_51 = arith.constant 2 : i32
      %mul3A_52 = arith.muli %mul3A_51, %scan3A_46 : i32
      %add3A_53 = arith.constant 2 : i32
      %add3A_54 = arith.addi %mul3A_52, %add3A_53 : i32
      %mul3A_55 = arith.constant 200 : i32
      %mul3A_56 = arith.muli %add3A_50, %mul3A_55 : i32
      %add3A_57 = arith.addi %add3A, %mul3A_56 : i32
      "tpu.region"() ({
        %run_scoped3A = tpu.sem_alloc : memref<!tpu.dma_semaphore, #tpu.memory_space<semaphore_mem>>
        %dma_start3A_87 = tpu.memref_slice %arg3[%add3A_57] : memref<800000xi32, #tpu.memory_space<hbm>> -> memref<200xi32, #tpu.memory_space<hbm>>
        %dma_start3A_88 = tpu.memref_slice %arg3[%add3A_57] : memref<800000xi32, #tpu.memory_space<hbm>> -> memref<200xi32, #tpu.memory_space<hbm>>
        tpu.enqueue_dma source(%dma_start3A_88 : memref<200xi32, #tpu.memory_space<hbm>>) target(%arg8 : memref<200xi32, #tpu.memory_space<vmem>>) target_semaphore(%run_scoped3A : memref<!tpu.dma_semaphore, #tpu.memory_space<semaphore_mem>>)
        %dma_wait3A_89 = tpu.memref_slice %arg3[%add3A_57] : memref<800000xi32, #tpu.memory_space<hbm>> -> memref<200xi32, #tpu.memory_space<hbm>>
        %dma_wait3A_90 = tpu.memref_slice %arg3[%add3A_57] : memref<800000xi32, #tpu.memory_space<hbm>> -> memref<200xi32, #tpu.memory_space<hbm>>
        tpu.wait_dma2 semaphore(%run_scoped3A : memref<!tpu.dma_semaphore, #tpu.memory_space<semaphore_mem>>) src(%dma_wait3A_90 : memref<200xi32, #tpu.memory_space<hbm>>) dst(%arg8 : memref<200xi32, #tpu.memory_space<vmem>>)
        tpu.yield
      }) : () -> ()
      %mul3A_58 = arith.constant 200 : i32
      %mul3A_59 = arith.muli %add3A_50, %mul3A_58 : i32
      %add3A_60 = arith.addi %add3A, %mul3A_59 : i32
      "tpu.region"() ({
        %run_scoped3A = tpu.sem_alloc : memref<!tpu.dma_semaphore, #tpu.memory_space<semaphore_mem>>
        %dma_start3A_87 = tpu.memref_slice %arg4[%add3A_60] : memref<800000xi32, #tpu.memory_space<hbm>> -> memref<200xi32, #tpu.memory_space<hbm>>
        %dma_start3A_88 = tpu.memref_slice %arg4[%add3A_60] : memref<800000xi32, #tpu.memory_space<hbm>> -> memref<200xi32, #tpu.memory_space<hbm>>
        tpu.enqueue_dma source(%dma_start3A_88 : memref<200xi32, #tpu.memory_space<hbm>>) target(%arg9 : memref<200xi32, #tpu.memory_space<vmem>>) target_semaphore(%run_scoped3A : memref<!tpu.dma_semaphore, #tpu.memory_space<semaphore_mem>>)
        %dma_wait3A_89 = tpu.memref_slice %arg4[%add3A_60] : memref<800000xi32, #tpu.memory_space<hbm>> -> memref<200xi32, #tpu.memory_space<hbm>>
        %dma_wait3A_90 = tpu.memref_slice %arg4[%add3A_60] : memref<800000xi32, #tpu.memory_space<hbm>> -> memref<200xi32, #tpu.memory_space<hbm>>
        tpu.wait_dma2 semaphore(%run_scoped3A : memref<!tpu.dma_semaphore, #tpu.memory_space<semaphore_mem>>) src(%dma_wait3A_90 : memref<200xi32, #tpu.memory_space<hbm>>) dst(%arg9 : memref<200xi32, #tpu.memory_space<vmem>>)
        tpu.yield
      }) : () -> ()
      %dma_start3A_61 = arith.constant 0 : i32
      %dma_start3A_62 = arith.constant 0 : i32
      %dma_start3A_63 = tpu.memref_slice %arg2[%dma_start3A_61, %dma_start3A_62] : memref<50000x32xf32, #tpu.memory_space<hbm>> -> memref<50000x32xf32, #tpu.memory_space<hbm>>
      %dma_start3A_64 = tpu.memref_slice %arg14[%scan3A_20] : memref<2x!tpu.dma_semaphore, #tpu.memory_space<semaphore_mem>> -> memref<1x!tpu.dma_semaphore, #tpu.memory_space<semaphore_mem>>
      %dma_start3A_65 = tpu.memref_squeeze %dma_start3A_64 : memref<1x!tpu.dma_semaphore, #tpu.memory_space<semaphore_mem>> -> memref<!tpu.dma_semaphore, #tpu.memory_space<semaphore_mem>>
      tpu.enqueue_indirect_dma source(%dma_start3A_63 : memref<50000x32xf32, #tpu.memory_space<hbm>>) target(%arg11 : memref<200x32xf32, #tpu.memory_space<vmem>>) offsets(%arg8 : memref<200xi32, #tpu.memory_space<vmem>>) semaphore(%dma_start3A_65 : memref<!tpu.dma_semaphore, #tpu.memory_space<semaphore_mem>>)
      %dma_wait3A_66 = arith.constant 0 : i32
      %dma_wait3A_67 = arith.constant 0 : i32
      %dma_wait3A_68 = tpu.memref_slice %arg2[%dma_wait3A_66, %dma_wait3A_67] : memref<50000x32xf32, #tpu.memory_space<hbm>> -> memref<50000x32xf32, #tpu.memory_space<hbm>>
      %dma_wait3A_69 = tpu.memref_slice %arg13[%scan3A_21] : memref<2x!tpu.dma_semaphore, #tpu.memory_space<semaphore_mem>> -> memref<1x!tpu.dma_semaphore, #tpu.memory_space<semaphore_mem>>
      %dma_wait3A_70 = tpu.memref_squeeze %dma_wait3A_69 : memref<1x!tpu.dma_semaphore, #tpu.memory_space<semaphore_mem>> -> memref<!tpu.dma_semaphore, #tpu.memory_space<semaphore_mem>>
      tpu.wait_indirect_dma semaphore(%dma_wait3A_70 : memref<!tpu.dma_semaphore, #tpu.memory_space<semaphore_mem>>) src(%dma_wait3A_68 : memref<50000x32xf32, #tpu.memory_space<hbm>>) dst(%arg10 : memref<200x32xf32, #tpu.memory_space<vmem>>)
      "tpu.region"() ({
        %run_scoped3A = tpu.sem_alloc : memref<!tpu.dma_semaphore, #tpu.memory_space<semaphore_mem>>
        %dma_start3A_87 = arith.constant 0 : i32
        %dma_start3A_88 = arith.constant 0 : i32
        %dma_start3A_89 = tpu.memref_slice %arg12[%dma_start3A_87, %dma_start3A_88] : memref<50000x32xf32, #tpu.memory_space<vmem_shared>> -> memref<50000x32xf32, #tpu.memory_space<vmem_shared>>
        tpu.enqueue_indirect_dma source(%arg10 : memref<200x32xf32, #tpu.memory_space<vmem>>) target(%dma_start3A_89 : memref<50000x32xf32, #tpu.memory_space<vmem_shared>>) offsets(%arg7 : memref<200xi32, #tpu.memory_space<vmem>>) semaphore(%run_scoped3A : memref<!tpu.dma_semaphore, #tpu.memory_space<semaphore_mem>>) {add = true}
        %dma_wait3A_90 = arith.constant 0 : i32
        %dma_wait3A_91 = arith.constant 0 : i32
        %dma_wait3A_92 = tpu.memref_slice %arg12[%dma_wait3A_90, %dma_wait3A_91] : memref<50000x32xf32, #tpu.memory_space<vmem_shared>> -> memref<50000x32xf32, #tpu.memory_space<vmem_shared>>
        tpu.wait_indirect_dma semaphore(%run_scoped3A : memref<!tpu.dma_semaphore, #tpu.memory_space<semaphore_mem>>) src(%arg10 : memref<200x32xf32, #tpu.memory_space<vmem>>) dst(%dma_wait3A_92 : memref<50000x32xf32, #tpu.memory_space<vmem_shared>>)
        tpu.yield
      }) : () -> ()
      %mul3A_71 = arith.constant 200 : i32
      %mul3A_72 = arith.muli %add3A_54, %mul3A_71 : i32
      %add3A_73 = arith.addi %add3A, %mul3A_72 : i32
      "tpu.region"() ({
        %run_scoped3A = tpu.sem_alloc : memref<!tpu.dma_semaphore, #tpu.memory_space<semaphore_mem>>
        %dma_start3A_87 = tpu.memref_slice %arg3[%add3A_73] : memref<800000xi32, #tpu.memory_space<hbm>> -> memref<200xi32, #tpu.memory_space<hbm>>
        %dma_start3A_88 = tpu.memref_slice %arg3[%add3A_73] : memref<800000xi32, #tpu.memory_space<hbm>> -> memref<200xi32, #tpu.memory_space<hbm>>
        tpu.enqueue_dma source(%dma_start3A_88 : memref<200xi32, #tpu.memory_space<hbm>>) target(%arg6 : memref<200xi32, #tpu.memory_space<vmem>>) target_semaphore(%run_scoped3A : memref<!tpu.dma_semaphore, #tpu.memory_space<semaphore_mem>>)
        %dma_wait3A_89 = tpu.memref_slice %arg3[%add3A_73] : memref<800000xi32, #tpu.memory_space<hbm>> -> memref<200xi32, #tpu.memory_space<hbm>>
        %dma_wait3A_90 = tpu.memref_slice %arg3[%add3A_73] : memref<800000xi32, #tpu.memory_space<hbm>> -> memref<200xi32, #tpu.memory_space<hbm>>
        tpu.wait_dma2 semaphore(%run_scoped3A : memref<!tpu.dma_semaphore, #tpu.memory_space<semaphore_mem>>) src(%dma_wait3A_90 : memref<200xi32, #tpu.memory_space<hbm>>) dst(%arg6 : memref<200xi32, #tpu.memory_space<vmem>>)
        tpu.yield
      }) : () -> ()
      %mul3A_74 = arith.constant 200 : i32
      %mul3A_75 = arith.muli %add3A_54, %mul3A_74 : i32
      %add3A_76 = arith.addi %add3A, %mul3A_75 : i32
      "tpu.region"() ({
        %run_scoped3A = tpu.sem_alloc : memref<!tpu.dma_semaphore, #tpu.memory_space<semaphore_mem>>
        %dma_start3A_87 = tpu.memref_slice %arg4[%add3A_76] : memref<800000xi32, #tpu.memory_space<hbm>> -> memref<200xi32, #tpu.memory_space<hbm>>
        %dma_start3A_88 = tpu.memref_slice %arg4[%add3A_76] : memref<800000xi32, #tpu.memory_space<hbm>> -> memref<200xi32, #tpu.memory_space<hbm>>
        tpu.enqueue_dma source(%dma_start3A_88 : memref<200xi32, #tpu.memory_space<hbm>>) target(%arg7 : memref<200xi32, #tpu.memory_space<vmem>>) target_semaphore(%run_scoped3A : memref<!tpu.dma_semaphore, #tpu.memory_space<semaphore_mem>>)
        %dma_wait3A_89 = tpu.memref_slice %arg4[%add3A_76] : memref<800000xi32, #tpu.memory_space<hbm>> -> memref<200xi32, #tpu.memory_space<hbm>>
        %dma_wait3A_90 = tpu.memref_slice %arg4[%add3A_76] : memref<800000xi32, #tpu.memory_space<hbm>> -> memref<200xi32, #tpu.memory_space<hbm>>
        tpu.wait_dma2 semaphore(%run_scoped3A : memref<!tpu.dma_semaphore, #tpu.memory_space<semaphore_mem>>) src(%dma_wait3A_90 : memref<200xi32, #tpu.memory_space<hbm>>) dst(%arg7 : memref<200xi32, #tpu.memory_space<vmem>>)
        tpu.yield
      }) : () -> ()
      %dma_start3A_77 = arith.constant 0 : i32
      %dma_start3A_78 = arith.constant 0 : i32
      %dma_start3A_79 = tpu.memref_slice %arg2[%dma_start3A_77, %dma_start3A_78] : memref<50000x32xf32, #tpu.memory_space<hbm>> -> memref<50000x32xf32, #tpu.memory_space<hbm>>
      %dma_start3A_80 = tpu.memref_slice %arg13[%scan3A_21] : memref<2x!tpu.dma_semaphore, #tpu.memory_space<semaphore_mem>> -> memref<1x!tpu.dma_semaphore, #tpu.memory_space<semaphore_mem>>
      %dma_start3A_81 = tpu.memref_squeeze %dma_start3A_80 : memref<1x!tpu.dma_semaphore, #tpu.memory_space<semaphore_mem>> -> memref<!tpu.dma_semaphore, #tpu.memory_space<semaphore_mem>>
      tpu.enqueue_indirect_dma source(%dma_start3A_79 : memref<50000x32xf32, #tpu.memory_space<hbm>>) target(%arg10 : memref<200x32xf32, #tpu.memory_space<vmem>>) offsets(%arg6 : memref<200xi32, #tpu.memory_space<vmem>>) semaphore(%dma_start3A_81 : memref<!tpu.dma_semaphore, #tpu.memory_space<semaphore_mem>>)
      %dma_wait3A_82 = arith.constant 0 : i32
      %dma_wait3A_83 = arith.constant 0 : i32
      %dma_wait3A_84 = tpu.memref_slice %arg2[%dma_wait3A_82, %dma_wait3A_83] : memref<50000x32xf32, #tpu.memory_space<hbm>> -> memref<50000x32xf32, #tpu.memory_space<hbm>>
      %dma_wait3A_85 = tpu.memref_slice %arg14[%scan3A_20] : memref<2x!tpu.dma_semaphore, #tpu.memory_space<semaphore_mem>> -> memref<1x!tpu.dma_semaphore, #tpu.memory_space<semaphore_mem>>
      %dma_wait3A_86 = tpu.memref_squeeze %dma_wait3A_85 : memref<1x!tpu.dma_semaphore, #tpu.memory_space<semaphore_mem>> -> memref<!tpu.dma_semaphore, #tpu.memory_space<semaphore_mem>>
      tpu.wait_indirect_dma semaphore(%dma_wait3A_86 : memref<!tpu.dma_semaphore, #tpu.memory_space<semaphore_mem>>) src(%dma_wait3A_84 : memref<50000x32xf32, #tpu.memory_space<hbm>>) dst(%arg11 : memref<200x32xf32, #tpu.memory_space<vmem>>)
      "tpu.region"() ({
        %run_scoped3A = tpu.sem_alloc : memref<!tpu.dma_semaphore, #tpu.memory_space<semaphore_mem>>
        %dma_start3A_87 = arith.constant 0 : i32
        %dma_start3A_88 = arith.constant 0 : i32
        %dma_start3A_89 = tpu.memref_slice %arg12[%dma_start3A_87, %dma_start3A_88] : memref<50000x32xf32, #tpu.memory_space<vmem_shared>> -> memref<50000x32xf32, #tpu.memory_space<vmem_shared>>
        tpu.enqueue_indirect_dma source(%arg11 : memref<200x32xf32, #tpu.memory_space<vmem>>) target(%dma_start3A_89 : memref<50000x32xf32, #tpu.memory_space<vmem_shared>>) offsets(%arg9 : memref<200xi32, #tpu.memory_space<vmem>>) semaphore(%run_scoped3A : memref<!tpu.dma_semaphore, #tpu.memory_space<semaphore_mem>>) {add = true}
        %dma_wait3A_90 = arith.constant 0 : i32
        %dma_wait3A_91 = arith.constant 0 : i32
        %dma_wait3A_92 = tpu.memref_slice %arg12[%dma_wait3A_90, %dma_wait3A_91] : memref<50000x32xf32, #tpu.memory_space<vmem_shared>> -> memref<50000x32xf32, #tpu.memory_space<vmem_shared>>
        tpu.wait_indirect_dma semaphore(%run_scoped3A : memref<!tpu.dma_semaphore, #tpu.memory_space<semaphore_mem>>) src(%arg11 : memref<200x32xf32, #tpu.memory_space<vmem>>) dst(%dma_wait3A_92 : memref<50000x32xf32, #tpu.memory_space<vmem_shared>>)
        tpu.yield
      }) : () -> ()
    }
    %scan3A_26 = arith.constant 62 : i32
    %dma_wait3A = arith.constant 0 : i32
    %dma_wait3A_27 = arith.constant 0 : i32
    %dma_wait3A_28 = arith.constant 0 : i32
    %dma_wait3A_29 = tpu.memref_slice %arg2[%dma_wait3A_27, %dma_wait3A_28] : memref<50000x32xf32, #tpu.memory_space<hbm>> -> memref<50000x32xf32, #tpu.memory_space<hbm>>
    %dma_wait3A_30 = tpu.memref_slice %arg13[%dma_wait3A] : memref<2x!tpu.dma_semaphore, #tpu.memory_space<semaphore_mem>> -> memref<1x!tpu.dma_semaphore, #tpu.memory_space<semaphore_mem>>
    %dma_wait3A_31 = tpu.memref_squeeze %dma_wait3A_30 : memref<1x!tpu.dma_semaphore, #tpu.memory_space<semaphore_mem>> -> memref<!tpu.dma_semaphore, #tpu.memory_space<semaphore_mem>>
    tpu.wait_indirect_dma semaphore(%dma_wait3A_31 : memref<!tpu.dma_semaphore, #tpu.memory_space<semaphore_mem>>) src(%dma_wait3A_29 : memref<50000x32xf32, #tpu.memory_space<hbm>>) dst(%arg10 : memref<200x32xf32, #tpu.memory_space<vmem>>)
    "tpu.region"() ({
      %run_scoped3A = tpu.sem_alloc : memref<!tpu.dma_semaphore, #tpu.memory_space<semaphore_mem>>
      %dma_start3A_46 = arith.constant 0 : i32
      %dma_start3A_47 = arith.constant 0 : i32
      %dma_start3A_48 = tpu.memref_slice %arg12[%dma_start3A_46, %dma_start3A_47] : memref<50000x32xf32, #tpu.memory_space<vmem_shared>> -> memref<50000x32xf32, #tpu.memory_space<vmem_shared>>
      tpu.enqueue_indirect_dma source(%arg10 : memref<200x32xf32, #tpu.memory_space<vmem>>) target(%dma_start3A_48 : memref<50000x32xf32, #tpu.memory_space<vmem_shared>>) offsets(%arg7 : memref<200xi32, #tpu.memory_space<vmem>>) semaphore(%run_scoped3A : memref<!tpu.dma_semaphore, #tpu.memory_space<semaphore_mem>>) {add = true}
      %dma_wait3A_49 = arith.constant 0 : i32
      %dma_wait3A_50 = arith.constant 0 : i32
      %dma_wait3A_51 = tpu.memref_slice %arg12[%dma_wait3A_49, %dma_wait3A_50] : memref<50000x32xf32, #tpu.memory_space<vmem_shared>> -> memref<50000x32xf32, #tpu.memory_space<vmem_shared>>
      tpu.wait_indirect_dma semaphore(%run_scoped3A : memref<!tpu.dma_semaphore, #tpu.memory_space<semaphore_mem>>) src(%arg10 : memref<200x32xf32, #tpu.memory_space<vmem>>) dst(%dma_wait3A_51 : memref<50000x32xf32, #tpu.memory_space<vmem_shared>>)
      tpu.yield
    }) : () -> ()
    %barrier3A_32 = arith.constant 0 : index
    tpu.barrier barrier_id(%barrier3A_32)
    %mul3A_33 = arith.constant 3128 : i32
    %mul3A_34 = arith.muli %arg1, %mul3A_33 : i32
    %multiple_of3A_35 = tpu.assume_multiple %mul3A_34, 8 : i32
    %lt3A_36 = arith.constant 15 : i32
    %lt3A_37 = arith.cmpi slt, %arg1, %lt3A_36 : i32
    %convert_element_type3A_38 = arith.extui %lt3A_37 : i1 to i32
    %cond3A_39 = arith.constant 0 : i32
    %cond3A_40 = arith.cmpi ne, %convert_element_type3A_38, %cond3A_39 : i32
    scf.if %cond3A_40 {
      %mul3A_46 = arith.constant 50000 : i32
      %mul3A_47 = arith.muli %arg0, %mul3A_46 : i32
      %add3A_48 = arith.addi %mul3A_47, %multiple_of3A_35 : i32
      %multiple_of3A_49 = tpu.assume_multiple %add3A_48, 8 : i32
      "tpu.region"() ({
        %run_scoped3A = tpu.sem_alloc : memref<!tpu.dma_semaphore, #tpu.memory_space<semaphore_mem>>
        %dma_start3A_50 = arith.constant 0 : i32
        %dma_start3A_51 = tpu.memref_slice %arg5[%multiple_of3A_49, %dma_start3A_50] : memref<100000x32xf32, #tpu.memory_space<hbm>> -> memref<3128x32xf32, #tpu.memory_space<hbm>>
        %dma_start3A_52 = arith.constant 0 : i32
        %dma_start3A_53 = tpu.memref_slice %arg12[%multiple_of3A_35, %dma_start3A_52] : memref<50000x32xf32, #tpu.memory_space<vmem_shared>> -> memref<3128x32xf32, #tpu.memory_space<vmem_shared>>
        tpu.enqueue_dma source(%dma_start3A_53 : memref<3128x32xf32, #tpu.memory_space<vmem_shared>>) target(%dma_start3A_51 : memref<3128x32xf32, #tpu.memory_space<hbm>>) target_semaphore(%run_scoped3A : memref<!tpu.dma_semaphore, #tpu.memory_space<semaphore_mem>>)
        %dma_wait3A_54 = arith.constant 0 : i32
        %dma_wait3A_55 = tpu.memref_slice %arg5[%multiple_of3A_49, %dma_wait3A_54] : memref<100000x32xf32, #tpu.memory_space<hbm>> -> memref<3128x32xf32, #tpu.memory_space<hbm>>
        %dma_wait3A_56 = arith.constant 0 : i32
        %dma_wait3A_57 = tpu.memref_slice %arg12[%multiple_of3A_35, %dma_wait3A_56] : memref<50000x32xf32, #tpu.memory_space<vmem_shared>> -> memref<3128x32xf32, #tpu.memory_space<vmem_shared>>
        tpu.wait_dma2 semaphore(%run_scoped3A : memref<!tpu.dma_semaphore, #tpu.memory_space<semaphore_mem>>) src(%dma_wait3A_57 : memref<3128x32xf32, #tpu.memory_space<vmem_shared>>) dst(%dma_wait3A_55 : memref<3128x32xf32, #tpu.memory_space<hbm>>)
        tpu.yield
      }) : () -> ()
    } else {
    }
    %eq3A_41 = arith.constant 15 : i32
    %eq3A_42 = arith.cmpi eq, %arg1, %eq3A_41 : i32
    %convert_element_type3A_43 = arith.extui %eq3A_42 : i1 to i32
    %cond3A_44 = arith.constant 0 : i32
    %cond3A_45 = arith.cmpi ne, %convert_element_type3A_43, %cond3A_44 : i32
    scf.if %cond3A_45 {
      %mul3A_46 = arith.constant 50000 : i32
      %mul3A_47 = arith.muli %arg0, %mul3A_46 : i32
      %add3A_48 = arith.addi %mul3A_47, %multiple_of3A_35 : i32
      %multiple_of3A_49 = tpu.assume_multiple %add3A_48, 8 : i32
      "tpu.region"() ({
        %run_scoped3A = tpu.sem_alloc : memref<!tpu.dma_semaphore, #tpu.memory_space<semaphore_mem>>
        %dma_start3A_50 = arith.constant 0 : i32
        %dma_start3A_51 = tpu.memref_slice %arg5[%multiple_of3A_49, %dma_start3A_50] : memref<100000x32xf32, #tpu.memory_space<hbm>> -> memref<3080x32xf32, #tpu.memory_space<hbm>>
        %dma_start3A_52 = arith.constant 0 : i32
        %dma_start3A_53 = tpu.memref_slice %arg12[%multiple_of3A_35, %dma_start3A_52] : memref<50000x32xf32, #tpu.memory_space<vmem_shared>> -> memref<3080x32xf32, #tpu.memory_space<vmem_shared>>
        tpu.enqueue_dma source(%dma_start3A_53 : memref<3080x32xf32, #tpu.memory_space<vmem_shared>>) target(%dma_start3A_51 : memref<3080x32xf32, #tpu.memory_space<hbm>>) target_semaphore(%run_scoped3A : memref<!tpu.dma_semaphore, #tpu.memory_space<semaphore_mem>>)
        %dma_wait3A_54 = arith.constant 0 : i32
        %dma_wait3A_55 = tpu.memref_slice %arg5[%multiple_of3A_49, %dma_wait3A_54] : memref<100000x32xf32, #tpu.memory_space<hbm>> -> memref<3080x32xf32, #tpu.memory_space<hbm>>
        %dma_wait3A_56 = arith.constant 0 : i32
        %dma_wait3A_57 = tpu.memref_slice %arg12[%multiple_of3A_35, %dma_wait3A_56] : memref<50000x32xf32, #tpu.memory_space<vmem_shared>> -> memref<3080x32xf32, #tpu.memory_space<vmem_shared>>
        tpu.wait_dma2 semaphore(%run_scoped3A : memref<!tpu.dma_semaphore, #tpu.memory_space<semaphore_mem>>) src(%dma_wait3A_57 : memref<3080x32xf32, #tpu.memory_space<vmem_shared>>) dst(%dma_wait3A_55 : memref<3080x32xf32, #tpu.memory_space<hbm>>)
        tpu.yield
      }) : () -> ()
    } else {
    }
    return
  }
}

#map = affine_map<(d0, d1) -> (0, 0)>
#map1 = affine_map<(d0, d1) -> (0)>
module attributes {stable_mosaic.version = 14 : i64} {
  func.func @_l1_body(%arg0: i32, %arg1: i32, %arg2: memref<100000x32xf32, #tpu.memory_space<hbm>>, %arg3: memref<1600000xi32, #tpu.memory_space<hbm>>, %arg4: memref<800000xi32, #tpu.memory_space<hbm>>, %arg5: memref<100000x32xf32, #tpu.memory_space<hbm>>, %arg6: memref<400xi32, #tpu.memory_space<vmem>>, %arg7: memref<400xi32, #tpu.memory_space<vmem>>, %arg8: memref<400xi32, #tpu.memory_space<vmem>>, %arg9: memref<400xi32, #tpu.memory_space<vmem>>, %arg10: memref<400x32xf32, #tpu.memory_space<vmem>>, %arg11: memref<400x32xf32, #tpu.memory_space<vmem>>, %arg12: memref<50000x32xf32, #tpu.memory_space<vmem_shared>>, %arg13: memref<2x!tpu.dma_semaphore, #tpu.memory_space<semaphore_mem>>, %arg14: memref<2x!tpu.dma_semaphore, #tpu.memory_space<semaphore_mem>>) attributes {dimension_semantics = [#tpu.dimension_semantics<core_parallel>, #tpu.dimension_semantics<subcore_parallel>], iteration_bounds = array<i64: 2, 16>, scalar_prefetch = 0 : i64, scratch_operands = 9 : i64, tpu.core_type = #tpu.core_type<sc_vector_subcore>, window_params = [{transform_indices = #map}, {transform_indices = #map1}, {transform_indices = #map1}, {transform_indices = #map}]} {
    %mul3A = arith.constant 3128 : i32
    %mul3A_0 = arith.muli %arg1, %mul3A : i32
    %multiple_of3A = tpu.assume_multiple %mul3A_0, 8 : i32
    %lt3A = arith.constant 15 : i32
    %lt3A_1 = arith.cmpi slt, %arg1, %lt3A : i32
    %convert_element_type3A = arith.extui %lt3A_1 : i1 to i32
    %cond3A = arith.constant 0 : i32
    %cond3A_2 = arith.cmpi ne, %convert_element_type3A, %cond3A : i32
    scf.if %cond3A_2 {
      %mul3A_48 = arith.constant 50000 : i32
      %mul3A_49 = arith.muli %arg0, %mul3A_48 : i32
      %add3A_50 = arith.addi %mul3A_49, %multiple_of3A : i32
      %multiple_of3A_51 = tpu.assume_multiple %add3A_50, 8 : i32
      "tpu.region"() ({
        %run_scoped3A = tpu.sem_alloc : memref<!tpu.dma_semaphore, #tpu.memory_space<semaphore_mem>>
        %dma_start3A_52 = arith.constant 0 : i32
        %dma_start3A_53 = tpu.memref_slice %arg12[%multiple_of3A, %dma_start3A_52] : memref<50000x32xf32, #tpu.memory_space<vmem_shared>> -> memref<3128x32xf32, #tpu.memory_space<vmem_shared>>
        %dma_start3A_54 = arith.constant 0 : i32
        %dma_start3A_55 = tpu.memref_slice %arg2[%multiple_of3A_51, %dma_start3A_54] : memref<100000x32xf32, #tpu.memory_space<hbm>> -> memref<3128x32xf32, #tpu.memory_space<hbm>>
        tpu.enqueue_dma source(%dma_start3A_55 : memref<3128x32xf32, #tpu.memory_space<hbm>>) target(%dma_start3A_53 : memref<3128x32xf32, #tpu.memory_space<vmem_shared>>) target_semaphore(%run_scoped3A : memref<!tpu.dma_semaphore, #tpu.memory_space<semaphore_mem>>)
        %dma_wait3A_56 = arith.constant 0 : i32
        %dma_wait3A_57 = tpu.memref_slice %arg12[%multiple_of3A, %dma_wait3A_56] : memref<50000x32xf32, #tpu.memory_space<vmem_shared>> -> memref<3128x32xf32, #tpu.memory_space<vmem_shared>>
        %dma_wait3A_58 = arith.constant 0 : i32
        %dma_wait3A_59 = tpu.memref_slice %arg2[%multiple_of3A_51, %dma_wait3A_58] : memref<100000x32xf32, #tpu.memory_space<hbm>> -> memref<3128x32xf32, #tpu.memory_space<hbm>>
        tpu.wait_dma2 semaphore(%run_scoped3A : memref<!tpu.dma_semaphore, #tpu.memory_space<semaphore_mem>>) src(%dma_wait3A_59 : memref<3128x32xf32, #tpu.memory_space<hbm>>) dst(%dma_wait3A_57 : memref<3128x32xf32, #tpu.memory_space<vmem_shared>>)
        tpu.yield
      }) : () -> ()
    } else {
    }
    %eq3A = arith.constant 15 : i32
    %eq3A_3 = arith.cmpi eq, %arg1, %eq3A : i32
    %convert_element_type3A_4 = arith.extui %eq3A_3 : i1 to i32
    %cond3A_5 = arith.constant 0 : i32
    %cond3A_6 = arith.cmpi ne, %convert_element_type3A_4, %cond3A_5 : i32
    scf.if %cond3A_6 {
      %mul3A_48 = arith.constant 50000 : i32
      %mul3A_49 = arith.muli %arg0, %mul3A_48 : i32
      %add3A_50 = arith.addi %mul3A_49, %multiple_of3A : i32
      %multiple_of3A_51 = tpu.assume_multiple %add3A_50, 8 : i32
      "tpu.region"() ({
        %run_scoped3A = tpu.sem_alloc : memref<!tpu.dma_semaphore, #tpu.memory_space<semaphore_mem>>
        %dma_start3A_52 = arith.constant 0 : i32
        %dma_start3A_53 = tpu.memref_slice %arg12[%multiple_of3A, %dma_start3A_52] : memref<50000x32xf32, #tpu.memory_space<vmem_shared>> -> memref<3080x32xf32, #tpu.memory_space<vmem_shared>>
        %dma_start3A_54 = arith.constant 0 : i32
        %dma_start3A_55 = tpu.memref_slice %arg2[%multiple_of3A_51, %dma_start3A_54] : memref<100000x32xf32, #tpu.memory_space<hbm>> -> memref<3080x32xf32, #tpu.memory_space<hbm>>
        tpu.enqueue_dma source(%dma_start3A_55 : memref<3080x32xf32, #tpu.memory_space<hbm>>) target(%dma_start3A_53 : memref<3080x32xf32, #tpu.memory_space<vmem_shared>>) target_semaphore(%run_scoped3A : memref<!tpu.dma_semaphore, #tpu.memory_space<semaphore_mem>>)
        %dma_wait3A_56 = arith.constant 0 : i32
        %dma_wait3A_57 = tpu.memref_slice %arg12[%multiple_of3A, %dma_wait3A_56] : memref<50000x32xf32, #tpu.memory_space<vmem_shared>> -> memref<3080x32xf32, #tpu.memory_space<vmem_shared>>
        %dma_wait3A_58 = arith.constant 0 : i32
        %dma_wait3A_59 = tpu.memref_slice %arg2[%multiple_of3A_51, %dma_wait3A_58] : memref<100000x32xf32, #tpu.memory_space<hbm>> -> memref<3080x32xf32, #tpu.memory_space<hbm>>
        tpu.wait_dma2 semaphore(%run_scoped3A : memref<!tpu.dma_semaphore, #tpu.memory_space<semaphore_mem>>) src(%dma_wait3A_59 : memref<3080x32xf32, #tpu.memory_space<hbm>>) dst(%dma_wait3A_57 : memref<3080x32xf32, #tpu.memory_space<vmem_shared>>)
        tpu.yield
      }) : () -> ()
    } else {
    }
    %barrier3A = arith.constant 0 : index
    tpu.barrier barrier_id(%barrier3A)
    %mul3A_7 = arith.constant 800000 : i32
    %mul3A_8 = arith.muli %arg0, %mul3A_7 : i32
    %mul3A_9 = arith.constant 50000 : i32
    %mul3A_10 = arith.muli %arg1, %mul3A_9 : i32
    %add3A = arith.addi %mul3A_8, %mul3A_10 : i32
    %mul3A_11 = arith.constant 50000 : i32
    %mul3A_12 = arith.muli %arg1, %mul3A_11 : i32
    %add3A_13 = arith.constant 0 : i32
    %add3A_14 = arith.addi %add3A, %add3A_13 : i32
    "tpu.region"() ({
      %run_scoped3A = tpu.sem_alloc : memref<!tpu.dma_semaphore, #tpu.memory_space<semaphore_mem>>
      %dma_start3A_48 = tpu.memref_slice %arg3[%add3A_14] : memref<1600000xi32, #tpu.memory_space<hbm>> -> memref<400xi32, #tpu.memory_space<hbm>>
      %dma_start3A_49 = tpu.memref_slice %arg3[%add3A_14] : memref<1600000xi32, #tpu.memory_space<hbm>> -> memref<400xi32, #tpu.memory_space<hbm>>
      tpu.enqueue_dma source(%dma_start3A_49 : memref<400xi32, #tpu.memory_space<hbm>>) target(%arg6 : memref<400xi32, #tpu.memory_space<vmem>>) target_semaphore(%run_scoped3A : memref<!tpu.dma_semaphore, #tpu.memory_space<semaphore_mem>>)
      %dma_wait3A_50 = tpu.memref_slice %arg3[%add3A_14] : memref<1600000xi32, #tpu.memory_space<hbm>> -> memref<400xi32, #tpu.memory_space<hbm>>
      %dma_wait3A_51 = tpu.memref_slice %arg3[%add3A_14] : memref<1600000xi32, #tpu.memory_space<hbm>> -> memref<400xi32, #tpu.memory_space<hbm>>
      tpu.wait_dma2 semaphore(%run_scoped3A : memref<!tpu.dma_semaphore, #tpu.memory_space<semaphore_mem>>) src(%dma_wait3A_51 : memref<400xi32, #tpu.memory_space<hbm>>) dst(%arg6 : memref<400xi32, #tpu.memory_space<vmem>>)
      tpu.yield
    }) : () -> ()
    %add3A_15 = arith.constant 0 : i32
    %add3A_16 = arith.addi %mul3A_12, %add3A_15 : i32
    "tpu.region"() ({
      %run_scoped3A = tpu.sem_alloc : memref<!tpu.dma_semaphore, #tpu.memory_space<semaphore_mem>>
      %dma_start3A_48 = tpu.memref_slice %arg4[%add3A_16] : memref<800000xi32, #tpu.memory_space<hbm>> -> memref<400xi32, #tpu.memory_space<hbm>>
      %dma_start3A_49 = tpu.memref_slice %arg4[%add3A_16] : memref<800000xi32, #tpu.memory_space<hbm>> -> memref<400xi32, #tpu.memory_space<hbm>>
      tpu.enqueue_dma source(%dma_start3A_49 : memref<400xi32, #tpu.memory_space<hbm>>) target(%arg7 : memref<400xi32, #tpu.memory_space<vmem>>) target_semaphore(%run_scoped3A : memref<!tpu.dma_semaphore, #tpu.memory_space<semaphore_mem>>)
      %dma_wait3A_50 = tpu.memref_slice %arg4[%add3A_16] : memref<800000xi32, #tpu.memory_space<hbm>> -> memref<400xi32, #tpu.memory_space<hbm>>
      %dma_wait3A_51 = tpu.memref_slice %arg4[%add3A_16] : memref<800000xi32, #tpu.memory_space<hbm>> -> memref<400xi32, #tpu.memory_space<hbm>>
      tpu.wait_dma2 semaphore(%run_scoped3A : memref<!tpu.dma_semaphore, #tpu.memory_space<semaphore_mem>>) src(%dma_wait3A_51 : memref<400xi32, #tpu.memory_space<hbm>>) dst(%arg7 : memref<400xi32, #tpu.memory_space<vmem>>)
      tpu.yield
    }) : () -> ()
    %dma_start3A = arith.constant 0 : i32
    %dma_start3A_17 = arith.constant 0 : i32
    %dma_start3A_18 = arith.constant 0 : i32
    %dma_start3A_19 = tpu.memref_slice %arg2[%dma_start3A_17, %dma_start3A_18] : memref<100000x32xf32, #tpu.memory_space<hbm>> -> memref<100000x32xf32, #tpu.memory_space<hbm>>
    %dma_start3A_20 = tpu.memref_slice %arg13[%dma_start3A] : memref<2x!tpu.dma_semaphore, #tpu.memory_space<semaphore_mem>> -> memref<1x!tpu.dma_semaphore, #tpu.memory_space<semaphore_mem>>
    %dma_start3A_21 = tpu.memref_squeeze %dma_start3A_20 : memref<1x!tpu.dma_semaphore, #tpu.memory_space<semaphore_mem>> -> memref<!tpu.dma_semaphore, #tpu.memory_space<semaphore_mem>>
    tpu.enqueue_indirect_dma source(%dma_start3A_19 : memref<100000x32xf32, #tpu.memory_space<hbm>>) target(%arg10 : memref<400x32xf32, #tpu.memory_space<vmem>>) offsets(%arg6 : memref<400xi32, #tpu.memory_space<vmem>>) semaphore(%dma_start3A_21 : memref<!tpu.dma_semaphore, #tpu.memory_space<semaphore_mem>>)
    %scan3A = arith.constant 0 : i32
    %scan3A_22 = arith.constant 0 : i32
    %scan3A_23 = arith.constant 0 : i32
    %scan3A_24 = arith.constant 0 : i32
    %scan3A_25 = arith.constant 62 : i32
    %scan3A_26 = arith.addi %scan3A_24, %scan3A_25 : i32
    %scan3A_27 = arith.constant 1 : i32
    scf.for %scan3A_48 = %scan3A_24 to %scan3A_26 step %scan3A_27  : i32 {
      %mul3A_49 = arith.constant 2 : i32
      %mul3A_50 = arith.muli %mul3A_49, %scan3A_48 : i32
      %add3A_51 = arith.constant 1 : i32
      %add3A_52 = arith.addi %mul3A_50, %add3A_51 : i32
      %mul3A_53 = arith.constant 2 : i32
      %mul3A_54 = arith.muli %mul3A_53, %scan3A_48 : i32
      %add3A_55 = arith.constant 2 : i32
      %add3A_56 = arith.addi %mul3A_54, %add3A_55 : i32
      %mul3A_57 = arith.constant 400 : i32
      %mul3A_58 = arith.muli %add3A_52, %mul3A_57 : i32
      %add3A_59 = arith.addi %add3A, %mul3A_58 : i32
      "tpu.region"() ({
        %run_scoped3A = tpu.sem_alloc : memref<!tpu.dma_semaphore, #tpu.memory_space<semaphore_mem>>
        %dma_start3A_89 = tpu.memref_slice %arg3[%add3A_59] : memref<1600000xi32, #tpu.memory_space<hbm>> -> memref<400xi32, #tpu.memory_space<hbm>>
        %dma_start3A_90 = tpu.memref_slice %arg3[%add3A_59] : memref<1600000xi32, #tpu.memory_space<hbm>> -> memref<400xi32, #tpu.memory_space<hbm>>
        tpu.enqueue_dma source(%dma_start3A_90 : memref<400xi32, #tpu.memory_space<hbm>>) target(%arg8 : memref<400xi32, #tpu.memory_space<vmem>>) target_semaphore(%run_scoped3A : memref<!tpu.dma_semaphore, #tpu.memory_space<semaphore_mem>>)
        %dma_wait3A_91 = tpu.memref_slice %arg3[%add3A_59] : memref<1600000xi32, #tpu.memory_space<hbm>> -> memref<400xi32, #tpu.memory_space<hbm>>
        %dma_wait3A_92 = tpu.memref_slice %arg3[%add3A_59] : memref<1600000xi32, #tpu.memory_space<hbm>> -> memref<400xi32, #tpu.memory_space<hbm>>
        tpu.wait_dma2 semaphore(%run_scoped3A : memref<!tpu.dma_semaphore, #tpu.memory_space<semaphore_mem>>) src(%dma_wait3A_92 : memref<400xi32, #tpu.memory_space<hbm>>) dst(%arg8 : memref<400xi32, #tpu.memory_space<vmem>>)
        tpu.yield
      }) : () -> ()
      %mul3A_60 = arith.constant 400 : i32
      %mul3A_61 = arith.muli %add3A_52, %mul3A_60 : i32
      %add3A_62 = arith.addi %mul3A_12, %mul3A_61 : i32
      "tpu.region"() ({
        %run_scoped3A = tpu.sem_alloc : memref<!tpu.dma_semaphore, #tpu.memory_space<semaphore_mem>>
        %dma_start3A_89 = tpu.memref_slice %arg4[%add3A_62] : memref<800000xi32, #tpu.memory_space<hbm>> -> memref<400xi32, #tpu.memory_space<hbm>>
        %dma_start3A_90 = tpu.memref_slice %arg4[%add3A_62] : memref<800000xi32, #tpu.memory_space<hbm>> -> memref<400xi32, #tpu.memory_space<hbm>>
        tpu.enqueue_dma source(%dma_start3A_90 : memref<400xi32, #tpu.memory_space<hbm>>) target(%arg9 : memref<400xi32, #tpu.memory_space<vmem>>) target_semaphore(%run_scoped3A : memref<!tpu.dma_semaphore, #tpu.memory_space<semaphore_mem>>)
        %dma_wait3A_91 = tpu.memref_slice %arg4[%add3A_62] : memref<800000xi32, #tpu.memory_space<hbm>> -> memref<400xi32, #tpu.memory_space<hbm>>
        %dma_wait3A_92 = tpu.memref_slice %arg4[%add3A_62] : memref<800000xi32, #tpu.memory_space<hbm>> -> memref<400xi32, #tpu.memory_space<hbm>>
        tpu.wait_dma2 semaphore(%run_scoped3A : memref<!tpu.dma_semaphore, #tpu.memory_space<semaphore_mem>>) src(%dma_wait3A_92 : memref<400xi32, #tpu.memory_space<hbm>>) dst(%arg9 : memref<400xi32, #tpu.memory_space<vmem>>)
        tpu.yield
      }) : () -> ()
      %dma_start3A_63 = arith.constant 0 : i32
      %dma_start3A_64 = arith.constant 0 : i32
      %dma_start3A_65 = tpu.memref_slice %arg2[%dma_start3A_63, %dma_start3A_64] : memref<100000x32xf32, #tpu.memory_space<hbm>> -> memref<100000x32xf32, #tpu.memory_space<hbm>>
      %dma_start3A_66 = tpu.memref_slice %arg14[%scan3A_22] : memref<2x!tpu.dma_semaphore, #tpu.memory_space<semaphore_mem>> -> memref<1x!tpu.dma_semaphore, #tpu.memory_space<semaphore_mem>>
      %dma_start3A_67 = tpu.memref_squeeze %dma_start3A_66 : memref<1x!tpu.dma_semaphore, #tpu.memory_space<semaphore_mem>> -> memref<!tpu.dma_semaphore, #tpu.memory_space<semaphore_mem>>
      tpu.enqueue_indirect_dma source(%dma_start3A_65 : memref<100000x32xf32, #tpu.memory_space<hbm>>) target(%arg11 : memref<400x32xf32, #tpu.memory_space<vmem>>) offsets(%arg8 : memref<400xi32, #tpu.memory_space<vmem>>) semaphore(%dma_start3A_67 : memref<!tpu.dma_semaphore, #tpu.memory_space<semaphore_mem>>)
      %dma_wait3A_68 = arith.constant 0 : i32
      %dma_wait3A_69 = arith.constant 0 : i32
      %dma_wait3A_70 = tpu.memref_slice %arg2[%dma_wait3A_68, %dma_wait3A_69] : memref<100000x32xf32, #tpu.memory_space<hbm>> -> memref<100000x32xf32, #tpu.memory_space<hbm>>
      %dma_wait3A_71 = tpu.memref_slice %arg13[%scan3A_23] : memref<2x!tpu.dma_semaphore, #tpu.memory_space<semaphore_mem>> -> memref<1x!tpu.dma_semaphore, #tpu.memory_space<semaphore_mem>>
      %dma_wait3A_72 = tpu.memref_squeeze %dma_wait3A_71 : memref<1x!tpu.dma_semaphore, #tpu.memory_space<semaphore_mem>> -> memref<!tpu.dma_semaphore, #tpu.memory_space<semaphore_mem>>
      tpu.wait_indirect_dma semaphore(%dma_wait3A_72 : memref<!tpu.dma_semaphore, #tpu.memory_space<semaphore_mem>>) src(%dma_wait3A_70 : memref<100000x32xf32, #tpu.memory_space<hbm>>) dst(%arg10 : memref<400x32xf32, #tpu.memory_space<vmem>>)
      "tpu.region"() ({
        %run_scoped3A = tpu.sem_alloc : memref<!tpu.dma_semaphore, #tpu.memory_space<semaphore_mem>>
        %dma_start3A_89 = arith.constant 0 : i32
        %dma_start3A_90 = arith.constant 0 : i32
        %dma_start3A_91 = tpu.memref_slice %arg12[%dma_start3A_89, %dma_start3A_90] : memref<50000x32xf32, #tpu.memory_space<vmem_shared>> -> memref<50000x32xf32, #tpu.memory_space<vmem_shared>>
        tpu.enqueue_indirect_dma source(%arg10 : memref<400x32xf32, #tpu.memory_space<vmem>>) target(%dma_start3A_91 : memref<50000x32xf32, #tpu.memory_space<vmem_shared>>) offsets(%arg7 : memref<400xi32, #tpu.memory_space<vmem>>) semaphore(%run_scoped3A : memref<!tpu.dma_semaphore, #tpu.memory_space<semaphore_mem>>) {add = true}
        %dma_wait3A_92 = arith.constant 0 : i32
        %dma_wait3A_93 = arith.constant 0 : i32
        %dma_wait3A_94 = tpu.memref_slice %arg12[%dma_wait3A_92, %dma_wait3A_93] : memref<50000x32xf32, #tpu.memory_space<vmem_shared>> -> memref<50000x32xf32, #tpu.memory_space<vmem_shared>>
        tpu.wait_indirect_dma semaphore(%run_scoped3A : memref<!tpu.dma_semaphore, #tpu.memory_space<semaphore_mem>>) src(%arg10 : memref<400x32xf32, #tpu.memory_space<vmem>>) dst(%dma_wait3A_94 : memref<50000x32xf32, #tpu.memory_space<vmem_shared>>)
        tpu.yield
      }) : () -> ()
      %mul3A_73 = arith.constant 400 : i32
      %mul3A_74 = arith.muli %add3A_56, %mul3A_73 : i32
      %add3A_75 = arith.addi %add3A, %mul3A_74 : i32
      "tpu.region"() ({
        %run_scoped3A = tpu.sem_alloc : memref<!tpu.dma_semaphore, #tpu.memory_space<semaphore_mem>>
        %dma_start3A_89 = tpu.memref_slice %arg3[%add3A_75] : memref<1600000xi32, #tpu.memory_space<hbm>> -> memref<400xi32, #tpu.memory_space<hbm>>
        %dma_start3A_90 = tpu.memref_slice %arg3[%add3A_75] : memref<1600000xi32, #tpu.memory_space<hbm>> -> memref<400xi32, #tpu.memory_space<hbm>>
        tpu.enqueue_dma source(%dma_start3A_90 : memref<400xi32, #tpu.memory_space<hbm>>) target(%arg6 : memref<400xi32, #tpu.memory_space<vmem>>) target_semaphore(%run_scoped3A : memref<!tpu.dma_semaphore, #tpu.memory_space<semaphore_mem>>)
        %dma_wait3A_91 = tpu.memref_slice %arg3[%add3A_75] : memref<1600000xi32, #tpu.memory_space<hbm>> -> memref<400xi32, #tpu.memory_space<hbm>>
        %dma_wait3A_92 = tpu.memref_slice %arg3[%add3A_75] : memref<1600000xi32, #tpu.memory_space<hbm>> -> memref<400xi32, #tpu.memory_space<hbm>>
        tpu.wait_dma2 semaphore(%run_scoped3A : memref<!tpu.dma_semaphore, #tpu.memory_space<semaphore_mem>>) src(%dma_wait3A_92 : memref<400xi32, #tpu.memory_space<hbm>>) dst(%arg6 : memref<400xi32, #tpu.memory_space<vmem>>)
        tpu.yield
      }) : () -> ()
      %mul3A_76 = arith.constant 400 : i32
      %mul3A_77 = arith.muli %add3A_56, %mul3A_76 : i32
      %add3A_78 = arith.addi %mul3A_12, %mul3A_77 : i32
      "tpu.region"() ({
        %run_scoped3A = tpu.sem_alloc : memref<!tpu.dma_semaphore, #tpu.memory_space<semaphore_mem>>
        %dma_start3A_89 = tpu.memref_slice %arg4[%add3A_78] : memref<800000xi32, #tpu.memory_space<hbm>> -> memref<400xi32, #tpu.memory_space<hbm>>
        %dma_start3A_90 = tpu.memref_slice %arg4[%add3A_78] : memref<800000xi32, #tpu.memory_space<hbm>> -> memref<400xi32, #tpu.memory_space<hbm>>
        tpu.enqueue_dma source(%dma_start3A_90 : memref<400xi32, #tpu.memory_space<hbm>>) target(%arg7 : memref<400xi32, #tpu.memory_space<vmem>>) target_semaphore(%run_scoped3A : memref<!tpu.dma_semaphore, #tpu.memory_space<semaphore_mem>>)
        %dma_wait3A_91 = tpu.memref_slice %arg4[%add3A_78] : memref<800000xi32, #tpu.memory_space<hbm>> -> memref<400xi32, #tpu.memory_space<hbm>>
        %dma_wait3A_92 = tpu.memref_slice %arg4[%add3A_78] : memref<800000xi32, #tpu.memory_space<hbm>> -> memref<400xi32, #tpu.memory_space<hbm>>
        tpu.wait_dma2 semaphore(%run_scoped3A : memref<!tpu.dma_semaphore, #tpu.memory_space<semaphore_mem>>) src(%dma_wait3A_92 : memref<400xi32, #tpu.memory_space<hbm>>) dst(%arg7 : memref<400xi32, #tpu.memory_space<vmem>>)
        tpu.yield
      }) : () -> ()
      %dma_start3A_79 = arith.constant 0 : i32
      %dma_start3A_80 = arith.constant 0 : i32
      %dma_start3A_81 = tpu.memref_slice %arg2[%dma_start3A_79, %dma_start3A_80] : memref<100000x32xf32, #tpu.memory_space<hbm>> -> memref<100000x32xf32, #tpu.memory_space<hbm>>
      %dma_start3A_82 = tpu.memref_slice %arg13[%scan3A_23] : memref<2x!tpu.dma_semaphore, #tpu.memory_space<semaphore_mem>> -> memref<1x!tpu.dma_semaphore, #tpu.memory_space<semaphore_mem>>
      %dma_start3A_83 = tpu.memref_squeeze %dma_start3A_82 : memref<1x!tpu.dma_semaphore, #tpu.memory_space<semaphore_mem>> -> memref<!tpu.dma_semaphore, #tpu.memory_space<semaphore_mem>>
      tpu.enqueue_indirect_dma source(%dma_start3A_81 : memref<100000x32xf32, #tpu.memory_space<hbm>>) target(%arg10 : memref<400x32xf32, #tpu.memory_space<vmem>>) offsets(%arg6 : memref<400xi32, #tpu.memory_space<vmem>>) semaphore(%dma_start3A_83 : memref<!tpu.dma_semaphore, #tpu.memory_space<semaphore_mem>>)
      %dma_wait3A_84 = arith.constant 0 : i32
      %dma_wait3A_85 = arith.constant 0 : i32
      %dma_wait3A_86 = tpu.memref_slice %arg2[%dma_wait3A_84, %dma_wait3A_85] : memref<100000x32xf32, #tpu.memory_space<hbm>> -> memref<100000x32xf32, #tpu.memory_space<hbm>>
      %dma_wait3A_87 = tpu.memref_slice %arg14[%scan3A_22] : memref<2x!tpu.dma_semaphore, #tpu.memory_space<semaphore_mem>> -> memref<1x!tpu.dma_semaphore, #tpu.memory_space<semaphore_mem>>
      %dma_wait3A_88 = tpu.memref_squeeze %dma_wait3A_87 : memref<1x!tpu.dma_semaphore, #tpu.memory_space<semaphore_mem>> -> memref<!tpu.dma_semaphore, #tpu.memory_space<semaphore_mem>>
      tpu.wait_indirect_dma semaphore(%dma_wait3A_88 : memref<!tpu.dma_semaphore, #tpu.memory_space<semaphore_mem>>) src(%dma_wait3A_86 : memref<100000x32xf32, #tpu.memory_space<hbm>>) dst(%arg11 : memref<400x32xf32, #tpu.memory_space<vmem>>)
      "tpu.region"() ({
        %run_scoped3A = tpu.sem_alloc : memref<!tpu.dma_semaphore, #tpu.memory_space<semaphore_mem>>
        %dma_start3A_89 = arith.constant 0 : i32
        %dma_start3A_90 = arith.constant 0 : i32
        %dma_start3A_91 = tpu.memref_slice %arg12[%dma_start3A_89, %dma_start3A_90] : memref<50000x32xf32, #tpu.memory_space<vmem_shared>> -> memref<50000x32xf32, #tpu.memory_space<vmem_shared>>
        tpu.enqueue_indirect_dma source(%arg11 : memref<400x32xf32, #tpu.memory_space<vmem>>) target(%dma_start3A_91 : memref<50000x32xf32, #tpu.memory_space<vmem_shared>>) offsets(%arg9 : memref<400xi32, #tpu.memory_space<vmem>>) semaphore(%run_scoped3A : memref<!tpu.dma_semaphore, #tpu.memory_space<semaphore_mem>>) {add = true}
        %dma_wait3A_92 = arith.constant 0 : i32
        %dma_wait3A_93 = arith.constant 0 : i32
        %dma_wait3A_94 = tpu.memref_slice %arg12[%dma_wait3A_92, %dma_wait3A_93] : memref<50000x32xf32, #tpu.memory_space<vmem_shared>> -> memref<50000x32xf32, #tpu.memory_space<vmem_shared>>
        tpu.wait_indirect_dma semaphore(%run_scoped3A : memref<!tpu.dma_semaphore, #tpu.memory_space<semaphore_mem>>) src(%arg11 : memref<400x32xf32, #tpu.memory_space<vmem>>) dst(%dma_wait3A_94 : memref<50000x32xf32, #tpu.memory_space<vmem_shared>>)
        tpu.yield
      }) : () -> ()
    }
    %scan3A_28 = arith.constant 62 : i32
    %dma_wait3A = arith.constant 0 : i32
    %dma_wait3A_29 = arith.constant 0 : i32
    %dma_wait3A_30 = arith.constant 0 : i32
    %dma_wait3A_31 = tpu.memref_slice %arg2[%dma_wait3A_29, %dma_wait3A_30] : memref<100000x32xf32, #tpu.memory_space<hbm>> -> memref<100000x32xf32, #tpu.memory_space<hbm>>
    %dma_wait3A_32 = tpu.memref_slice %arg13[%dma_wait3A] : memref<2x!tpu.dma_semaphore, #tpu.memory_space<semaphore_mem>> -> memref<1x!tpu.dma_semaphore, #tpu.memory_space<semaphore_mem>>
    %dma_wait3A_33 = tpu.memref_squeeze %dma_wait3A_32 : memref<1x!tpu.dma_semaphore, #tpu.memory_space<semaphore_mem>> -> memref<!tpu.dma_semaphore, #tpu.memory_space<semaphore_mem>>
    tpu.wait_indirect_dma semaphore(%dma_wait3A_33 : memref<!tpu.dma_semaphore, #tpu.memory_space<semaphore_mem>>) src(%dma_wait3A_31 : memref<100000x32xf32, #tpu.memory_space<hbm>>) dst(%arg10 : memref<400x32xf32, #tpu.memory_space<vmem>>)
    "tpu.region"() ({
      %run_scoped3A = tpu.sem_alloc : memref<!tpu.dma_semaphore, #tpu.memory_space<semaphore_mem>>
      %dma_start3A_48 = arith.constant 0 : i32
      %dma_start3A_49 = arith.constant 0 : i32
      %dma_start3A_50 = tpu.memref_slice %arg12[%dma_start3A_48, %dma_start3A_49] : memref<50000x32xf32, #tpu.memory_space<vmem_shared>> -> memref<50000x32xf32, #tpu.memory_space<vmem_shared>>
      tpu.enqueue_indirect_dma source(%arg10 : memref<400x32xf32, #tpu.memory_space<vmem>>) target(%dma_start3A_50 : memref<50000x32xf32, #tpu.memory_space<vmem_shared>>) offsets(%arg7 : memref<400xi32, #tpu.memory_space<vmem>>) semaphore(%run_scoped3A : memref<!tpu.dma_semaphore, #tpu.memory_space<semaphore_mem>>) {add = true}
      %dma_wait3A_51 = arith.constant 0 : i32
      %dma_wait3A_52 = arith.constant 0 : i32
      %dma_wait3A_53 = tpu.memref_slice %arg12[%dma_wait3A_51, %dma_wait3A_52] : memref<50000x32xf32, #tpu.memory_space<vmem_shared>> -> memref<50000x32xf32, #tpu.memory_space<vmem_shared>>
      tpu.wait_indirect_dma semaphore(%run_scoped3A : memref<!tpu.dma_semaphore, #tpu.memory_space<semaphore_mem>>) src(%arg10 : memref<400x32xf32, #tpu.memory_space<vmem>>) dst(%dma_wait3A_53 : memref<50000x32xf32, #tpu.memory_space<vmem_shared>>)
      tpu.yield
    }) : () -> ()
    %barrier3A_34 = arith.constant 0 : index
    tpu.barrier barrier_id(%barrier3A_34)
    %mul3A_35 = arith.constant 3128 : i32
    %mul3A_36 = arith.muli %arg1, %mul3A_35 : i32
    %multiple_of3A_37 = tpu.assume_multiple %mul3A_36, 8 : i32
    %lt3A_38 = arith.constant 15 : i32
    %lt3A_39 = arith.cmpi slt, %arg1, %lt3A_38 : i32
    %convert_element_type3A_40 = arith.extui %lt3A_39 : i1 to i32
    %cond3A_41 = arith.constant 0 : i32
    %cond3A_42 = arith.cmpi ne, %convert_element_type3A_40, %cond3A_41 : i32
    scf.if %cond3A_42 {
      %mul3A_48 = arith.constant 50000 : i32
      %mul3A_49 = arith.muli %arg0, %mul3A_48 : i32
      %add3A_50 = arith.addi %mul3A_49, %multiple_of3A_37 : i32
      %multiple_of3A_51 = tpu.assume_multiple %add3A_50, 8 : i32
      "tpu.region"() ({
        %run_scoped3A = tpu.sem_alloc : memref<!tpu.dma_semaphore, #tpu.memory_space<semaphore_mem>>
        %dma_start3A_52 = arith.constant 0 : i32
        %dma_start3A_53 = tpu.memref_slice %arg5[%multiple_of3A_51, %dma_start3A_52] : memref<100000x32xf32, #tpu.memory_space<hbm>> -> memref<3128x32xf32, #tpu.memory_space<hbm>>
        %dma_start3A_54 = arith.constant 0 : i32
        %dma_start3A_55 = tpu.memref_slice %arg12[%multiple_of3A_37, %dma_start3A_54] : memref<50000x32xf32, #tpu.memory_space<vmem_shared>> -> memref<3128x32xf32, #tpu.memory_space<vmem_shared>>
        tpu.enqueue_dma source(%dma_start3A_55 : memref<3128x32xf32, #tpu.memory_space<vmem_shared>>) target(%dma_start3A_53 : memref<3128x32xf32, #tpu.memory_space<hbm>>) target_semaphore(%run_scoped3A : memref<!tpu.dma_semaphore, #tpu.memory_space<semaphore_mem>>)
        %dma_wait3A_56 = arith.constant 0 : i32
        %dma_wait3A_57 = tpu.memref_slice %arg5[%multiple_of3A_51, %dma_wait3A_56] : memref<100000x32xf32, #tpu.memory_space<hbm>> -> memref<3128x32xf32, #tpu.memory_space<hbm>>
        %dma_wait3A_58 = arith.constant 0 : i32
        %dma_wait3A_59 = tpu.memref_slice %arg12[%multiple_of3A_37, %dma_wait3A_58] : memref<50000x32xf32, #tpu.memory_space<vmem_shared>> -> memref<3128x32xf32, #tpu.memory_space<vmem_shared>>
        tpu.wait_dma2 semaphore(%run_scoped3A : memref<!tpu.dma_semaphore, #tpu.memory_space<semaphore_mem>>) src(%dma_wait3A_59 : memref<3128x32xf32, #tpu.memory_space<vmem_shared>>) dst(%dma_wait3A_57 : memref<3128x32xf32, #tpu.memory_space<hbm>>)
        tpu.yield
      }) : () -> ()
    } else {
    }
    %eq3A_43 = arith.constant 15 : i32
    %eq3A_44 = arith.cmpi eq, %arg1, %eq3A_43 : i32
    %convert_element_type3A_45 = arith.extui %eq3A_44 : i1 to i32
    %cond3A_46 = arith.constant 0 : i32
    %cond3A_47 = arith.cmpi ne, %convert_element_type3A_45, %cond3A_46 : i32
    scf.if %cond3A_47 {
      %mul3A_48 = arith.constant 50000 : i32
      %mul3A_49 = arith.muli %arg0, %mul3A_48 : i32
      %add3A_50 = arith.addi %mul3A_49, %multiple_of3A_37 : i32
      %multiple_of3A_51 = tpu.assume_multiple %add3A_50, 8 : i32
      "tpu.region"() ({
        %run_scoped3A = tpu.sem_alloc : memref<!tpu.dma_semaphore, #tpu.memory_space<semaphore_mem>>
        %dma_start3A_52 = arith.constant 0 : i32
        %dma_start3A_53 = tpu.memref_slice %arg5[%multiple_of3A_51, %dma_start3A_52] : memref<100000x32xf32, #tpu.memory_space<hbm>> -> memref<3080x32xf32, #tpu.memory_space<hbm>>
        %dma_start3A_54 = arith.constant 0 : i32
        %dma_start3A_55 = tpu.memref_slice %arg12[%multiple_of3A_37, %dma_start3A_54] : memref<50000x32xf32, #tpu.memory_space<vmem_shared>> -> memref<3080x32xf32, #tpu.memory_space<vmem_shared>>
        tpu.enqueue_dma source(%dma_start3A_55 : memref<3080x32xf32, #tpu.memory_space<vmem_shared>>) target(%dma_start3A_53 : memref<3080x32xf32, #tpu.memory_space<hbm>>) target_semaphore(%run_scoped3A : memref<!tpu.dma_semaphore, #tpu.memory_space<semaphore_mem>>)
        %dma_wait3A_56 = arith.constant 0 : i32
        %dma_wait3A_57 = tpu.memref_slice %arg5[%multiple_of3A_51, %dma_wait3A_56] : memref<100000x32xf32, #tpu.memory_space<hbm>> -> memref<3080x32xf32, #tpu.memory_space<hbm>>
        %dma_wait3A_58 = arith.constant 0 : i32
        %dma_wait3A_59 = tpu.memref_slice %arg12[%multiple_of3A_37, %dma_wait3A_58] : memref<50000x32xf32, #tpu.memory_space<vmem_shared>> -> memref<3080x32xf32, #tpu.memory_space<vmem_shared>>
        tpu.wait_dma2 semaphore(%run_scoped3A : memref<!tpu.dma_semaphore, #tpu.memory_space<semaphore_mem>>) src(%dma_wait3A_59 : memref<3080x32xf32, #tpu.memory_space<vmem_shared>>) dst(%dma_wait3A_57 : memref<3080x32xf32, #tpu.memory_space<hbm>>)
        tpu.yield
      }) : () -> ()
    } else {
    }
    return
  }
}

module attributes {stable_mosaic.version = 14 : i64} {
  func.func @_tcb_body(%arg0: i32, %arg1: memref<1000x128xf32, #tpu.memory_space<vmem>>, %arg2: memref<128x64xf32, #tpu.memory_space<vmem>>, %arg3: memref<2x1000x16xf32, #tpu.memory_space<vmem>>, %arg4: memref<2x1000x32xf32, #tpu.memory_space<vmem>>, %arg5: memref<1000x1xf32, #tpu.memory_space<vmem>>) attributes {dimension_semantics = [#tpu.dimension_semantics<arbitrary>], iteration_bounds = array<i64: 50>, scalar_prefetch = 0 : i64, scratch_operands = 0 : i64, tpu.core_type = #tpu.core_type<tc>, window_params = [{transform_indices = @transform_0, window_bounds = array<i64: 1000, 128>}, {pipeline_mode = #tpu.pipeline_mode<synchronous>, transform_indices = @transform_1, window_bounds = array<i64: 128, 64>}, {transform_indices = @transform_2, window_bounds = array<i64: 2, 1000, 16>}, {transform_indices = @transform_3, window_bounds = array<i64: 2, 1000, 32>}, {transform_indices = @transform_4, window_bounds = array<i64: 1000, 1>}]} {
    %get3A = arith.constant 0 : index
    %get3A_0 = arith.constant 0 : index
    %get3A_1 = arith.constant 0 : index
    %get3A_2 = vector.load %arg3[%get3A, %get3A_0, %get3A_1] : memref<2x1000x16xf32, #tpu.memory_space<vmem>>, vector<1x1000x1xf32>
    %get3A_3 = vector.shape_cast %get3A_2 : vector<1x1000x1xf32> to vector<1000x1xf32>
    %get3A_4 = arith.constant 1 : index
    %get3A_5 = arith.constant 0 : index
    %get3A_6 = arith.constant 0 : index
    %get3A_7 = vector.load %arg3[%get3A_4, %get3A_5, %get3A_6] : memref<2x1000x16xf32, #tpu.memory_space<vmem>>, vector<1x1000x1xf32>
    %get3A_8 = vector.shape_cast %get3A_7 : vector<1x1000x1xf32> to vector<1000x1xf32>
    %add3A = arith.addf %get3A_3, %get3A_8 : vector<1000x1xf32>
    %sub3A = arith.constant 1.000000e+00 : f32
    %sub3A_9 = vector.broadcast %sub3A : f32 to vector<1000x1xf32>
    %sub3A_10 = arith.subf %add3A, %sub3A_9 : vector<1000x1xf32>
    %rsqrt3A = math.rsqrt %sub3A_10 : vector<1000x1xf32>
    %get3A_11 = arith.constant 0 : index
    %get3A_12 = arith.constant 0 : index
    %get3A_13 = vector.load %arg1[%get3A_11, %get3A_12] : memref<1000x128xf32, #tpu.memory_space<vmem>>, vector<1000x128xf32>
    %get3A_14 = arith.constant 0 : index
    %get3A_15 = arith.constant 0 : index
    %get3A_16 = vector.load %arg2[%get3A_14, %get3A_15] : memref<128x64xf32, #tpu.memory_space<vmem>>, vector<128x32xf32>
    %dot_general3A = arith.constant dense<0.000000e+00> : vector<1000x32xf32>
    %dot_general3A_17 = tpu.matmul %get3A_13, %get3A_16, %dot_general3A {dimension_numbers = #tpu.dot_dimension_numbers<[1], [0], [0], [1], [0, 0, 1, 1], [], []>, transpose_lhs_hint = false} : vector<1000x128xf32>, vector<128x32xf32>, vector<1000x32xf32> -> vector<1000x32xf32>
    %mul3A = vector.broadcast %rsqrt3A : vector<1000x1xf32> to vector<1000x32xf32>
    %mul3A_18 = arith.mulf %dot_general3A_17, %mul3A : vector<1000x32xf32>
    %swap3A = arith.constant 0 : index
    %swap3A_19 = arith.constant 0 : index
    %swap3A_20 = arith.constant 0 : index
    %swap3A_21 = vector.load %arg4[%swap3A, %swap3A_19, %swap3A_20] : memref<2x1000x32xf32, #tpu.memory_space<vmem>>, vector<1x1000x32xf32>
    %swap3A_22 = vector.shape_cast %swap3A_21 : vector<1x1000x32xf32> to vector<1000x32xf32>
    %swap3A_23 = vector.shape_cast %mul3A_18 : vector<1000x32xf32> to vector<1x1000x32xf32>
    tpu.vector_store %arg4[%swap3A, %swap3A_19, %swap3A_20], %swap3A_23 {strides = array<i32>} : memref<2x1000x32xf32, #tpu.memory_space<vmem>>, vector<1x1000x32xf32>,
    %get3A_24 = arith.constant 0 : index
    %get3A_25 = arith.constant 32 : index
    %get3A_26 = vector.load %arg2[%get3A_24, %get3A_25] : memref<128x64xf32, #tpu.memory_space<vmem>>, vector<128x32xf32>
    %dot_general3A_27 = arith.constant dense<0.000000e+00> : vector<1000x32xf32>
    %dot_general3A_28 = tpu.matmul %get3A_13, %get3A_26, %dot_general3A_27 {dimension_numbers = #tpu.dot_dimension_numbers<[1], [0], [0], [1], [0, 0, 1, 1], [], []>, transpose_lhs_hint = false} : vector<1000x128xf32>, vector<128x32xf32>, vector<1000x32xf32> -> vector<1000x32xf32>
    %mul3A_29 = vector.broadcast %rsqrt3A : vector<1000x1xf32> to vector<1000x32xf32>
    %mul3A_30 = arith.mulf %dot_general3A_28, %mul3A_29 : vector<1000x32xf32>
    %swap3A_31 = arith.constant 1 : index
    %swap3A_32 = arith.constant 0 : index
    %swap3A_33 = arith.constant 0 : index
    %swap3A_34 = vector.load %arg4[%swap3A_31, %swap3A_32, %swap3A_33] : memref<2x1000x32xf32, #tpu.memory_space<vmem>>, vector<1x1000x32xf32>
    %swap3A_35 = vector.shape_cast %swap3A_34 : vector<1x1000x32xf32> to vector<1000x32xf32>
    %swap3A_36 = vector.shape_cast %mul3A_30 : vector<1000x32xf32> to vector<1x1000x32xf32>
    tpu.vector_store %arg4[%swap3A_31, %swap3A_32, %swap3A_33], %swap3A_36 {strides = array<i32>} : memref<2x1000x32xf32, #tpu.memory_space<vmem>>, vector<1x1000x32xf32>,
    %swap3A_37 = arith.constant 0 : index
    %swap3A_38 = arith.constant 0 : index
    %swap3A_39 = vector.load %arg5[%swap3A_37, %swap3A_38] : memref<1000x1xf32, #tpu.memory_space<vmem>>, vector<1000x1xf32>
    tpu.vector_store %arg5[%swap3A_37, %swap3A_38], %rsqrt3A {strides = array<i32>} : memref<1000x1xf32, #tpu.memory_space<vmem>>, vector<1000x1xf32>,
    return
  }
  func.func @transform_0(%arg0: i32) -> (i32, i32) {
    %c0_i32 = arith.constant 0 : i32
    %c0_i32_0 = arith.constant 0 : i32
    return %arg0, %c0_i32 : i32, i32
  }
  func.func @transform_1(%arg0: i32) -> (i32, i32) {
    %c0_i32 = arith.constant 0 : i32
    %c0_i32_0 = arith.constant 0 : i32
    %c0_i32_1 = arith.constant 0 : i32
    return %c0_i32, %c0_i32_0 : i32, i32
  }
  func.func @transform_2(%arg0: i32) -> (i32, i32, i32) {
    %c0_i32 = arith.constant 0 : i32
    %c0_i32_0 = arith.constant 0 : i32
    %c0_i32_1 = arith.constant 0 : i32
    return %c0_i32, %arg0, %c0_i32_0 : i32, i32, i32
  }
  func.func @transform_3(%arg0: i32) -> (i32, i32, i32) {
    %c0_i32 = arith.constant 0 : i32
    %c0_i32_0 = arith.constant 0 : i32
    %c0_i32_1 = arith.constant 0 : i32
    return %c0_i32, %arg0, %c0_i32_0 : i32, i32, i32
  }
  func.func @transform_4(%arg0: i32) -> (i32, i32) {
    %c0_i32 = arith.constant 0 : i32
    %c0_i32_0 = arith.constant 0 : i32
    return %arg0, %c0_i32 : i32, i32
  }
}

module attributes {stable_mosaic.version = 14 : i64} {
  func.func @_tcd_body(%arg0: i32, %arg1: memref<2x1000x32xf32, #tpu.memory_space<vmem>>, %arg2: memref<1000x1xf32, #tpu.memory_space<vmem>>, %arg3: memref<1x64xf32, #tpu.memory_space<vmem>>, %arg4: memref<64x32xf32, #tpu.memory_space<vmem>>, %arg5: memref<1000x32xf32, #tpu.memory_space<vmem>>) attributes {dimension_semantics = [#tpu.dimension_semantics<arbitrary>], iteration_bounds = array<i64: 50>, scalar_prefetch = 0 : i64, scratch_operands = 0 : i64, tpu.core_type = #tpu.core_type<tc>, window_params = [{transform_indices = @transform_0, window_bounds = array<i64: 2, 1000, 32>}, {transform_indices = @transform_1, window_bounds = array<i64: 1000, 1>}, {pipeline_mode = #tpu.pipeline_mode<synchronous>, transform_indices = @transform_2, window_bounds = array<i64: 1, 64>}, {pipeline_mode = #tpu.pipeline_mode<synchronous>, transform_indices = @transform_3, window_bounds = array<i64: 64, 32>}, {transform_indices = @transform_4, window_bounds = array<i64: 1000, 32>}]} {
    %get3A = arith.constant 0 : index
    %get3A_0 = arith.constant 0 : index
    %get3A_1 = vector.load %arg2[%get3A, %get3A_0] : memref<1000x1xf32, #tpu.memory_space<vmem>>, vector<1000x1xf32>
    %get3A_2 = arith.constant 0 : index
    %get3A_3 = arith.constant 0 : index
    %get3A_4 = arith.constant 0 : index
    %get3A_5 = vector.load %arg1[%get3A_2, %get3A_3, %get3A_4] : memref<2x1000x32xf32, #tpu.memory_space<vmem>>, vector<1x1000x32xf32>
    %get3A_6 = vector.shape_cast %get3A_5 : vector<1x1000x32xf32> to vector<1000x32xf32>
    %mul3A = vector.broadcast %get3A_1 : vector<1000x1xf32> to vector<1000x32xf32>
    %mul3A_7 = arith.mulf %get3A_6, %mul3A : vector<1000x32xf32>
    %get3A_8 = arith.constant 0 : index
    %get3A_9 = arith.constant 0 : index
    %get3A_10 = vector.load %arg3[%get3A_8, %get3A_9] : memref<1x64xf32, #tpu.memory_space<vmem>>, vector<1x32xf32>
    %add3A = vector.broadcast %get3A_10 : vector<1x32xf32> to vector<1000x32xf32>
    %add3A_11 = arith.addf %mul3A_7, %add3A : vector<1000x32xf32>
    %max3A = arith.constant 0.000000e+00 : f32
    %max3A_12 = vector.broadcast %max3A : f32 to vector<1000x32xf32>
    %max3A_13 = arith.maximumf %add3A_11, %max3A_12 : vector<1000x32xf32>
    %get3A_14 = arith.constant 1 : index
    %get3A_15 = arith.constant 0 : index
    %get3A_16 = arith.constant 0 : index
    %get3A_17 = vector.load %arg1[%get3A_14, %get3A_15, %get3A_16] : memref<2x1000x32xf32, #tpu.memory_space<vmem>>, vector<1x1000x32xf32>
    %get3A_18 = vector.shape_cast %get3A_17 : vector<1x1000x32xf32> to vector<1000x32xf32>
    %mul3A_19 = vector.broadcast %get3A_1 : vector<1000x1xf32> to vector<1000x32xf32>
    %mul3A_20 = arith.mulf %get3A_18, %mul3A_19 : vector<1000x32xf32>
    %get3A_21 = arith.constant 0 : index
    %get3A_22 = arith.constant 32 : index
    %get3A_23 = vector.load %arg3[%get3A_21, %get3A_22] : memref<1x64xf32, #tpu.memory_space<vmem>>, vector<1x32xf32>
    %add3A_24 = vector.broadcast %get3A_23 : vector<1x32xf32> to vector<1000x32xf32>
    %add3A_25 = arith.addf %mul3A_20, %add3A_24 : vector<1000x32xf32>
    %max3A_26 = arith.constant 0.000000e+00 : f32
    %max3A_27 = vector.broadcast %max3A_26 : f32 to vector<1000x32xf32>
    %max3A_28 = arith.maximumf %add3A_25, %max3A_27 : vector<1000x32xf32>
    %get3A_29 = arith.constant 0 : index
    %get3A_30 = arith.constant 0 : index
    %get3A_31 = vector.load %arg4[%get3A_29, %get3A_30] : memref<64x32xf32, #tpu.memory_space<vmem>>, vector<32x32xf32>
    %dot_general3A = arith.constant dense<0.000000e+00> : vector<1000x32xf32>
    %dot_general3A_32 = tpu.matmul %max3A_13, %get3A_31, %dot_general3A {dimension_numbers = #tpu.dot_dimension_numbers<[1], [0], [0], [1], [0, 0, 1, 1], [], []>, transpose_lhs_hint = false} : vector<1000x32xf32>, vector<32x32xf32>, vector<1000x32xf32> -> vector<1000x32xf32>
    %get3A_33 = arith.constant 32 : index
    %get3A_34 = arith.constant 0 : index
    %get3A_35 = vector.load %arg4[%get3A_33, %get3A_34] : memref<64x32xf32, #tpu.memory_space<vmem>>, vector<32x32xf32>
    %dot_general3A_36 = arith.constant dense<0.000000e+00> : vector<1000x32xf32>
    %dot_general3A_37 = tpu.matmul %max3A_28, %get3A_35, %dot_general3A_36 {dimension_numbers = #tpu.dot_dimension_numbers<[1], [0], [0], [1], [0, 0, 1, 1], [], []>, transpose_lhs_hint = false} : vector<1000x32xf32>, vector<32x32xf32>, vector<1000x32xf32> -> vector<1000x32xf32>
    %add3A_38 = arith.addf %dot_general3A_32, %dot_general3A_37 : vector<1000x32xf32>
    %mul3A_39 = vector.broadcast %get3A_1 : vector<1000x1xf32> to vector<1000x32xf32>
    %mul3A_40 = arith.mulf %add3A_38, %mul3A_39 : vector<1000x32xf32>
    %swap3A = arith.constant 0 : index
    %swap3A_41 = arith.constant 0 : index
    %swap3A_42 = vector.load %arg5[%swap3A, %swap3A_41] : memref<1000x32xf32, #tpu.memory_space<vmem>>, vector<1000x32xf32>
    tpu.vector_store %arg5[%swap3A, %swap3A_41], %mul3A_40 {strides = array<i32>} : memref<1000x32xf32, #tpu.memory_space<vmem>>, vector<1000x32xf32>,
    return
  }
  func.func @transform_0(%arg0: i32) -> (i32, i32, i32) {
    %c0_i32 = arith.constant 0 : i32
    %c0_i32_0 = arith.constant 0 : i32
    %c0_i32_1 = arith.constant 0 : i32
    return %c0_i32, %arg0, %c0_i32_0 : i32, i32, i32
  }
  func.func @transform_1(%arg0: i32) -> (i32, i32) {
    %c0_i32 = arith.constant 0 : i32
    %c0_i32_0 = arith.constant 0 : i32
    return %arg0, %c0_i32 : i32, i32
  }
  func.func @transform_2(%arg0: i32) -> (i32, i32) {
    %c0_i32 = arith.constant 0 : i32
    %c0_i32_0 = arith.constant 0 : i32
    %c0_i32_1 = arith.constant 0 : i32
    return %c0_i32, %c0_i32_0 : i32, i32
  }
  func.func @transform_3(%arg0: i32) -> (i32, i32) {
    %c0_i32 = arith.constant 0 : i32
    %c0_i32_0 = arith.constant 0 : i32
    %c0_i32_1 = arith.constant 0 : i32
    return %c0_i32, %c0_i32_0 : i32, i32
  }
  func.func @transform_4(%arg0: i32) -> (i32, i32) {
    %c0_i32 = arith.constant 0 : i32
    %c0_i32_0 = arith.constant 0 : i32
    return %arg0, %c0_i32 : i32, i32
  }
}

module attributes {stable_mosaic.version = 14 : i64} {
  func.func @_tcf_body(%arg0: i32, %arg1: memref<2x1000x32xf32, #tpu.memory_space<vmem>>, %arg2: memref<1000x32xf32, #tpu.memory_space<vmem>>, %arg3: memref<1000x1xf32, #tpu.memory_space<vmem>>, %arg4: memref<1000x1xi32, #tpu.memory_space<vmem>>, %arg5: memref<1x32xf32, #tpu.memory_space<vmem>>, %arg6: memref<32x32xf32, #tpu.memory_space<vmem>>, %arg7: memref<1x32xf32, #tpu.memory_space<vmem>>, %arg8: memref<32x32xf32, #tpu.memory_space<vmem>>, %arg9: memref<1x32xf32, #tpu.memory_space<vmem>>, %arg10: memref<256x32xf32, #tpu.memory_space<vmem>>, %arg11: memref<256x32xf32, #tpu.memory_space<vmem>>, %arg12: memref<256x1xf32, #tpu.memory_space<vmem>>) attributes {dimension_semantics = [#tpu.dimension_semantics<arbitrary>], iteration_bounds = array<i64: 50>, scalar_prefetch = 0 : i64, scratch_operands = 2 : i64, tpu.core_type = #tpu.core_type<tc>, window_params = [{transform_indices = @transform_0, window_bounds = array<i64: 2, 1000, 32>}, {transform_indices = @transform_1, window_bounds = array<i64: 1000, 32>}, {transform_indices = @transform_2, window_bounds = array<i64: 1000, 1>}, {transform_indices = @transform_3, window_bounds = array<i64: 1000, 1>}, {pipeline_mode = #tpu.pipeline_mode<synchronous>, transform_indices = @transform_4, window_bounds = array<i64: 1, 32>}, {pipeline_mode = #tpu.pipeline_mode<synchronous>, transform_indices = @transform_5, window_bounds = array<i64: 32, 32>}, {pipeline_mode = #tpu.pipeline_mode<synchronous>, transform_indices = @transform_6, window_bounds = array<i64: 1, 32>}, {pipeline_mode = #tpu.pipeline_mode<synchronous>, transform_indices = @transform_7, window_bounds = array<i64: 32, 32>}, {pipeline_mode = #tpu.pipeline_mode<synchronous>, transform_indices = @transform_8, window_bounds = array<i64: 1, 32>}, {pipeline_mode = #tpu.pipeline_mode<synchronous>, transform_indices = @transform_9, window_bounds = array<i64: 256, 32>}]} {
    %eq3A = arith.constant 0 : i32
    %eq3A_0 = arith.cmpi eq, %arg0, %eq3A : i32
    %convert_element_type3A = arith.extui %eq3A_0 : i1 to i32
    %cond3A = arith.constant 0 : i32
    %cond3A_1 = arith.cmpi ne, %convert_element_type3A, %cond3A : i32
    scf.if %cond3A_1 {
      %broadcast_in_dim3A_52 = arith.constant 0.000000e+00 : f32
      %broadcast_in_dim3A_53 = vector.broadcast %broadcast_in_dim3A_52 : f32 to vector<256x32xf32>
      %swap3A_54 = arith.constant 0 : index
      %swap3A_55 = arith.constant 0 : index
      %swap3A_56 = vector.load %arg11[%swap3A_54, %swap3A_55] : memref<256x32xf32, #tpu.memory_space<vmem>>, vector<256x32xf32>
      tpu.vector_store %arg11[%swap3A_54, %swap3A_55], %broadcast_in_dim3A_53 {strides = array<i32>} : memref<256x32xf32, #tpu.memory_space<vmem>>, vector<256x32xf32>,
      %broadcast_in_dim3A_57 = arith.constant 0.000000e+00 : f32
      %broadcast_in_dim3A_58 = vector.broadcast %broadcast_in_dim3A_57 : f32 to vector<256x1xf32>
      %swap3A_59 = arith.constant 0 : index
      %swap3A_60 = arith.constant 0 : index
      %swap3A_61 = vector.load %arg12[%swap3A_59, %swap3A_60] : memref<256x1xf32, #tpu.memory_space<vmem>>, vector<256x1xf32>
      tpu.vector_store %arg12[%swap3A_59, %swap3A_60], %broadcast_in_dim3A_58 {strides = array<i32>} : memref<256x1xf32, #tpu.memory_space<vmem>>, vector<256x1xf32>,
    } else {
    }
    %get3A = arith.constant 0 : index
    %get3A_2 = arith.constant 0 : index
    %get3A_3 = vector.load %arg3[%get3A, %get3A_2] : memref<1000x1xf32, #tpu.memory_space<vmem>>, vector<1000x1xf32>
    %get3A_4 = arith.constant 0 : index
    %get3A_5 = arith.constant 0 : index
    %get3A_6 = arith.constant 0 : index
    %get3A_7 = vector.load %arg1[%get3A_4, %get3A_5, %get3A_6] : memref<2x1000x32xf32, #tpu.memory_space<vmem>>, vector<1x1000x32xf32>
    %get3A_8 = vector.shape_cast %get3A_7 : vector<1x1000x32xf32> to vector<1000x32xf32>
    %get3A_9 = arith.constant 1 : index
    %get3A_10 = arith.constant 0 : index
    %get3A_11 = arith.constant 0 : index
    %get3A_12 = vector.load %arg1[%get3A_9, %get3A_10, %get3A_11] : memref<2x1000x32xf32, #tpu.memory_space<vmem>>, vector<1x1000x32xf32>
    %get3A_13 = vector.shape_cast %get3A_12 : vector<1x1000x32xf32> to vector<1000x32xf32>
    %add3A = arith.addf %get3A_8, %get3A_13 : vector<1000x32xf32>
    %get3A_14 = arith.constant 0 : index
    %get3A_15 = arith.constant 0 : index
    %get3A_16 = vector.load %arg2[%get3A_14, %get3A_15] : memref<1000x32xf32, #tpu.memory_space<vmem>>, vector<1000x32xf32>
    %sub3A = arith.subf %add3A, %get3A_16 : vector<1000x32xf32>
    %mul3A = vector.broadcast %get3A_3 : vector<1000x1xf32> to vector<1000x32xf32>
    %mul3A_17 = arith.mulf %sub3A, %mul3A : vector<1000x32xf32>
    %get3A_18 = arith.constant 0 : index
    %get3A_19 = arith.constant 0 : index
    %get3A_20 = vector.load %arg5[%get3A_18, %get3A_19] : memref<1x32xf32, #tpu.memory_space<vmem>>, vector<1x32xf32>
    %add3A_21 = vector.broadcast %get3A_20 : vector<1x32xf32> to vector<1000x32xf32>
    %add3A_22 = arith.addf %mul3A_17, %add3A_21 : vector<1000x32xf32>
    %get3A_23 = arith.constant 0 : index
    %get3A_24 = arith.constant 0 : index
    %get3A_25 = vector.load %arg4[%get3A_23, %get3A_24] : memref<1000x1xi32, #tpu.memory_space<vmem>>, vector<1000x1xi32>
    %iota3A = tpu.iota {dimensions = array<i32: 1>} : vector<1000x256xi32>
    %eq3A_26 = vector.broadcast %get3A_25 : vector<1000x1xi32> to vector<1000x256xi32>
    %eq3A_27 = arith.cmpi eq, %eq3A_26, %iota3A : vector<1000x256xi32>
    %convert_element_type3A_28 = arith.extui %eq3A_27 : vector<1000x256xi1> to vector<1000x256xi32>
    %convert_element_type3A_29 = arith.sitofp %convert_element_type3A_28 : vector<1000x256xi32> to vector<1000x256xf32>
    %get3A_30 = arith.constant 0 : index
    %get3A_31 = arith.constant 0 : index
    %get3A_32 = vector.load %arg11[%get3A_30, %get3A_31] : memref<256x32xf32, #tpu.memory_space<vmem>>, vector<256x32xf32>
    %dot_general3A = arith.constant dense<0.000000e+00> : vector<256x32xf32>
    %dot_general3A_33 = tpu.matmul %convert_element_type3A_29, %add3A_22, %dot_general3A {dimension_numbers = #tpu.dot_dimension_numbers<[0], [0], [1], [1], [0, 1, 1, 1], [], []>, transpose_lhs_hint = false} : vector<1000x256xf32>, vector<1000x32xf32>, vector<256x32xf32> -> vector<256x32xf32>
    %add3A_34 = arith.addf %get3A_32, %dot_general3A_33 : vector<256x32xf32>
    %swap3A = arith.constant 0 : index
    %swap3A_35 = arith.constant 0 : index
    %swap3A_36 = vector.load %arg11[%swap3A, %swap3A_35] : memref<256x32xf32, #tpu.memory_space<vmem>>, vector<256x32xf32>
    tpu.vector_store %arg11[%swap3A, %swap3A_35], %add3A_34 {strides = array<i32>} : memref<256x32xf32, #tpu.memory_space<vmem>>, vector<256x32xf32>,
    %get3A_37 = arith.constant 0 : index
    %get3A_38 = arith.constant 0 : index
    %get3A_39 = vector.load %arg12[%get3A_37, %get3A_38] : memref<256x1xf32, #tpu.memory_space<vmem>>, vector<256x1xf32>
    %broadcast_in_dim3A = arith.constant 1.000000e+00 : f32
    %broadcast_in_dim3A_40 = vector.broadcast %broadcast_in_dim3A : f32 to vector<1000x1xf32>
    %dot_general3A_41 = arith.constant dense<0.000000e+00> : vector<256x1xf32>
    %dot_general3A_42 = tpu.matmul %convert_element_type3A_29, %broadcast_in_dim3A_40, %dot_general3A_41 {dimension_numbers = #tpu.dot_dimension_numbers<[0], [0], [1], [1], [0, 1, 1, 1], [], []>, transpose_lhs_hint = false} : vector<1000x256xf32>, vector<1000x1xf32>, vector<256x1xf32> -> vector<256x1xf32>
    %add3A_43 = arith.addf %get3A_39, %dot_general3A_42 : vector<256x1xf32>
    %swap3A_44 = arith.constant 0 : index
    %swap3A_45 = arith.constant 0 : index
    %swap3A_46 = vector.load %arg12[%swap3A_44, %swap3A_45] : memref<256x1xf32, #tpu.memory_space<vmem>>, vector<256x1xf32>
    tpu.vector_store %arg12[%swap3A_44, %swap3A_45], %add3A_43 {strides = array<i32>} : memref<256x1xf32, #tpu.memory_space<vmem>>, vector<256x1xf32>,
    %eq3A_47 = arith.constant 49 : i32
    %eq3A_48 = arith.cmpi eq, %arg0, %eq3A_47 : i32
    %convert_element_type3A_49 = arith.extui %eq3A_48 : i1 to i32
    %cond3A_50 = arith.constant 0 : i32
    %cond3A_51 = arith.cmpi ne, %convert_element_type3A_49, %cond3A_50 : i32
    scf.if %cond3A_51 {
      %get3A_52 = arith.constant 0 : index
      %get3A_53 = arith.constant 0 : index
      %get3A_54 = vector.load %arg11[%get3A_52, %get3A_53] : memref<256x32xf32, #tpu.memory_space<vmem>>, vector<256x32xf32>
      %get3A_55 = arith.constant 0 : index
      %get3A_56 = arith.constant 0 : index
      %get3A_57 = vector.load %arg12[%get3A_55, %get3A_56] : memref<256x1xf32, #tpu.memory_space<vmem>>, vector<256x1xf32>
      %max3A = arith.constant 1.000000e+00 : f32
      %max3A_58 = vector.broadcast %max3A : f32 to vector<256x1xf32>
      %max3A_59 = arith.maximumf %get3A_57, %max3A_58 : vector<256x1xf32>
      %div3A = vector.broadcast %max3A_59 : vector<256x1xf32> to vector<256x32xf32>
      %div3A_60 = arith.divf %get3A_54, %div3A : vector<256x32xf32>
      %get3A_61 = arith.constant 0 : index
      %get3A_62 = arith.constant 0 : index
      %get3A_63 = vector.load %arg6[%get3A_61, %get3A_62] : memref<32x32xf32, #tpu.memory_space<vmem>>, vector<32x32xf32>
      %dot_general3A_64 = arith.constant dense<0.000000e+00> : vector<256x32xf32>
      %dot_general3A_65 = tpu.matmul %div3A_60, %get3A_63, %dot_general3A_64 {dimension_numbers = #tpu.dot_dimension_numbers<[1], [0], [0], [1], [0, 0, 1, 1], [], []>, transpose_lhs_hint = false} : vector<256x32xf32>, vector<32x32xf32>, vector<256x32xf32> -> vector<256x32xf32>
      %get3A_66 = arith.constant 0 : index
      %get3A_67 = arith.constant 0 : index
      %get3A_68 = vector.load %arg7[%get3A_66, %get3A_67] : memref<1x32xf32, #tpu.memory_space<vmem>>, vector<1x32xf32>
      %add3A_69 = vector.broadcast %get3A_68 : vector<1x32xf32> to vector<256x32xf32>
      %add3A_70 = arith.addf %dot_general3A_65, %add3A_69 : vector<256x32xf32>
      %max3A_71 = arith.constant 0.000000e+00 : f32
      %max3A_72 = vector.broadcast %max3A_71 : f32 to vector<256x32xf32>
      %max3A_73 = arith.maximumf %add3A_70, %max3A_72 : vector<256x32xf32>
      %get3A_74 = arith.constant 0 : index
      %get3A_75 = arith.constant 0 : index
      %get3A_76 = vector.load %arg8[%get3A_74, %get3A_75] : memref<32x32xf32, #tpu.memory_space<vmem>>, vector<32x32xf32>
      %dot_general3A_77 = arith.constant dense<0.000000e+00> : vector<256x32xf32>
      %dot_general3A_78 = tpu.matmul %max3A_73, %get3A_76, %dot_general3A_77 {dimension_numbers = #tpu.dot_dimension_numbers<[1], [0], [0], [1], [0, 0, 1, 1], [], []>, transpose_lhs_hint = false} : vector<256x32xf32>, vector<32x32xf32>, vector<256x32xf32> -> vector<256x32xf32>
      %get3A_79 = arith.constant 0 : index
      %get3A_80 = arith.constant 0 : index
      %get3A_81 = vector.load %arg9[%get3A_79, %get3A_80] : memref<1x32xf32, #tpu.memory_space<vmem>>, vector<1x32xf32>
      %add3A_82 = vector.broadcast %get3A_81 : vector<1x32xf32> to vector<256x32xf32>
      %add3A_83 = arith.addf %dot_general3A_78, %add3A_82 : vector<256x32xf32>
      %swap3A_84 = arith.constant 0 : index
      %swap3A_85 = arith.constant 0 : index
      %swap3A_86 = vector.load %arg10[%swap3A_84, %swap3A_85] : memref<256x32xf32, #tpu.memory_space<vmem>>, vector<256x32xf32>
      tpu.vector_store %arg10[%swap3A_84, %swap3A_85], %add3A_83 {strides = array<i32>} : memref<256x32xf32, #tpu.memory_space<vmem>>, vector<256x32xf32>,
    } else {
    }
    return
  }
  func.func @transform_0(%arg0: i32) -> (i32, i32, i32) {
    %c0_i32 = arith.constant 0 : i32
    %c0_i32_0 = arith.constant 0 : i32
    %c0_i32_1 = arith.constant 0 : i32
    return %c0_i32, %arg0, %c0_i32_0 : i32, i32, i32
  }
  func.func @transform_1(%arg0: i32) -> (i32, i32) {
    %c0_i32 = arith.constant 0 : i32
    %c0_i32_0 = arith.constant 0 : i32
    return %arg0, %c0_i32 : i32, i32
  }
  func.func @transform_2(%arg0: i32) -> (i32, i32) {
    %c0_i32 = arith.constant 0 : i32
    %c0_i32_0 = arith.constant 0 : i32
    return %arg0, %c0_i32 : i32, i32
  }
  func.func @transform_3(%arg0: i32) -> (i32, i32) {
    %c0_i32 = arith.constant 0 : i32
    %c0_i32_0 = arith.constant 0 : i32
    return %arg0, %c0_i32 : i32, i32
  }
  func.func @transform_4(%arg0: i32) -> (i32, i32) {
    %c0_i32 = arith.constant 0 : i32
    %c0_i32_0 = arith.constant 0 : i32
    %c0_i32_1 = arith.constant 0 : i32
    return %c0_i32, %c0_i32_0 : i32, i32
  }
  func.func @transform_5(%arg0: i32) -> (i32, i32) {
    %c0_i32 = arith.constant 0 : i32
    %c0_i32_0 = arith.constant 0 : i32
    %c0_i32_1 = arith.constant 0 : i32
    return %c0_i32, %c0_i32_0 : i32, i32
  }
  func.func @transform_6(%arg0: i32) -> (i32, i32) {
    %c0_i32 = arith.constant 0 : i32
    %c0_i32_0 = arith.constant 0 : i32
    %c0_i32_1 = arith.constant 0 : i32
    return %c0_i32, %c0_i32_0 : i32, i32
  }
  func.func @transform_7(%arg0: i32) -> (i32, i32) {
    %c0_i32 = arith.constant 0 : i32
    %c0_i32_0 = arith.constant 0 : i32
    %c0_i32_1 = arith.constant 0 : i32
    return %c0_i32, %c0_i32_0 : i32, i32
  }
  func.func @transform_8(%arg0: i32) -> (i32, i32) {
    %c0_i32 = arith.constant 0 : i32
    %c0_i32_0 = arith.constant 0 : i32
    %c0_i32_1 = arith.constant 0 : i32
    return %c0_i32, %c0_i32_0 : i32, i32
  }
  func.func @transform_9(%arg0: i32) -> (i32, i32) {
    %c0_i32 = arith.constant 0 : i32
    %c0_i32_0 = arith.constant 0 : i32
    %c0_i32_1 = arith.constant 0 : i32
    return %c0_i32, %c0_i32_0 : i32, i32
  }
}

</mosaic_0001>

<sc_bundles>
// kernel: kernel.11.cloned.1.call-start
scs
__scs_entry_jumppad:
0x0: {  	(pc) =	sbr.rel $0x88, $3  }
0x1: {  	(tag) =	ssettag $0x0;
	lr =	simm.s32 $0x1  }
0x2: {  	[smem:$0x3F96] =	sst lr;
	_ =	strace $0xD0000000  }
0x3: {  	_ = 	snop  }
0x4: {  	_ = 	snop  }
0x5: {  	_ = 	snop  }
0x6: {  	_ = 	snop  }
0x7: {  	_ = 	snop  }
__scs_overlays_trampoline_lowered:
0x8: {  	[smem:$0x3FA5] =	sst s0  }
0x9: {  	[smem:$0x3FA6] =	sst s1  }
0xa: {  	[smem:$0x3FA7] =	sst s2  }
0xb: {  	[smem:$0x3FA8] =	sst s3  }
0xc: {  	[smem:$0x3FA9] =	sst s4  }
0xd: {  	[smem:$0x3FAA] =	sst s5  }
0xe: {  	[smem:$0x3FAB] =	sst s6  }
0xf: {  	[smem:$0x3FAC] =	sst s7  }
0x10: {  	[smem:$0x3FAD] =	sst s8  }
0x11: {  	[smem:$0x3FAE] =	sst s9;
	s0 =	simm.s32 @!p0 $0x0  }
0x12: {  	s1 =	sld [smem:$0x3F94];
	s0 =	simm.s32 @p0 $0x1  }
0x13: {  	[smem:$0x3FAF] =	sst s0;
	s0 =	simm.s32 @!p1 $0x0  }
0x14: {  	s2 =	sld [smem:$0x3F93];
	s0 =	simm.s32 @p1 $0x1  }
0x15: {  	[smem:$0x3FB0] =	sst s0;
	s0 =	simm.s32 @!p2 $0x0  }
0x16: {  	s3 =	sld [smem:$0x3FDB];
	s0 =	simm.s32 @p2 $0x1  }
0x17: {  	s4 =	simm.s32 $0x1BF5;
	[smem:$0x3FB2] =	sst s0  }
0x18: {  	s0 =	sld [smem:$0x3F95];
	_ =	swait.ge [sflag:s4], $0x0  }
0x19: {  	s7 =	sld [smem:$0x3F96]  }
0x1a: {  	s8 =	sadd.s32 $0xFFFFE003, lr  }
0x1b: {  	s9 =	sadd.s32 $0xFFFFFEF7, lr;
	s5 =	simm.s32 $0xFFFFFFFF;
	p2 =	slt.u32 s8, $0xFFFFF086  }
0x1c: {  	p1 =	slt.u32 s9, $0xF7A;
	s5 =	simm.s32 @!p2 $0x0  }
0x1d: {  	s5 =	simm.s32 @p1 $0x1;
	p0 =	seq.s32 s7, s2  }
0x1e: {  	s7 =	smul.u32 @!p0 $0xF7A, s2;
	p2 =	seq.s32 @!p0 s5, $0x0  }
0x1f: {  	s9 =	smul.u32 $0xF7A, s1;
	s8 =	simm.s32 @!p0 $0x1BF5;
	p2 =	por !p2, p0  }
0x20: {  	[sflag:s8] =	ssyncset.s32 @!p0 $0xFFFFF086;
	s6 =	sadd.s32 @!p0 s3, s7;
	s7 =	simm.s32 @!p0 $0x108  }
0x21: {  	s3 =	sadd.s32 s3, s9;
	s6 =	sadd.s32 @!p0 $0x88, s6;
	s7 =	simm.s32 @p2 $0x1082  }
0x22: {  	[simem:s7], [sflag:s8] =	dma.local @!p0 [hbm:s6], $0xF7A  }
0x23: {  	s9 =	sor.u32 $0xD0000000, s2;
	s6 =	simm.s32 $0x108;
	_ =	swait.ge @!p0 [sflag:s8], $0x0  }
0x24: {  	s3 =	sadd.s32 $0x88, s3;
	s6 =	simm.s32 @!p1 $0x1082;
	[sflag:s4] =	ssyncset.s32 $0xFFFFF086  }
0x25: {  	[simem:s6], [sflag:s4] =	dma.local [hbm:s3], $0xF7A  }
0x26: {  	[smem:$0x3F96] =	sst s1;
	(tag) =	ssettag s2;
	_ =	strace s9  }
0x27: {  	s1 =	sld [smem:$0x3FA6]  }
0x28: {  	s2 =	sld [smem:$0x3FA7]  }
0x29: {  	s4 =	sld [smem:$0x3FA9]  }
0x2a: {  	p0 =	seq.s32 s5, $0x0;
	s5 =	sld [smem:$0x3FAA]  }
0x2b: {  	s6 =	sld [smem:$0x3FAB]  }
0x2c: {  	s7 =	sld [smem:$0x3FAC]  }
0x2d: {  	s3 =	simm.s32 $0x108;
	s8 =	sld [smem:$0x3FAD]  }
0x2e: {  	s3 =	simm.s32 @!p0 $0x1082;
	s9 =	sld [smem:$0x3FAE]  }
0x2f: {  	lr =	sadd.s32 s0, s3;
	s0 =	sld [smem:$0x3FA5]  }
0x30: {  	s3 =	sld [smem:$0x3FA8]  }
0x31: {  	[smem:$0x3FB1] =	sst s10  }
0x32: {  	s10 =	sld [smem:$0x3FAF];
	_ =	sdelay $0x3  }
0x33: {  	p0 =	seq.s32 s10, $0x1;
	s10 =	sld [smem:$0x3FB1];
	_ =	sdelay $0x3  }
0x34: {  	[smem:$0x3FB1] =	sst s10  }
0x35: {  	s10 =	sld [smem:$0x3FB0];
	_ =	sdelay $0x3  }
0x36: {  	p1 =	seq.s32 s10, $0x1;
	s10 =	sld [smem:$0x3FB1];
	_ =	sdelay $0x3  }
0x37: {  	[smem:$0x3FB1] =	sst s10  }
0x38: {  	s10 =	sld [smem:$0x3FB2]  }
0x39: {  	_ = 	snop;
	(pc) =	sbr.ind lr, $3  }
0x3a: {  	_ = 	snop  }
0x3b: {  	_ = 	snop  }
0x3c: {  	p2 =	seq.s32 s10, $0x1;
	s10 =	sld [smem:$0x3FB1]  }
0x3d: {  	_ =	shalt  }
0x3e: {  	_ =	shalt  }
0x3f: {  	_ =	shalt  }
0x40: {  	_ =	shalt  }
0x41: {  	_ =	shalt  }
0x42: {  	_ =	shalt  }
0x43: {  	_ =	shalt  }
0x44: {  	_ =	shalt  }
0x45: {  	_ =	shalt  }
0x46: {  	_ =	shalt  }
0x47: {  	_ =	shalt  }
0x48: {  	_ =	shalt  }
0x49: {  	_ =	shalt  }
0x4a: {  	_ =	shalt  }
0x4b: {  	_ =	shalt  }
0x4c: {  	_ =	shalt  }
0x4d: {  	_ =	shalt  }
0x4e: {  	_ =	shalt  }
0x4f: {  	_ =	shalt  }
0x50: {  	_ =	shalt  }
0x51: {  	_ =	shalt  }
0x52: {  	_ =	shalt  }
0x53: {  	_ =	shalt  }
0x54: {  	_ =	shalt  }
0x55: {  	_ =	shalt  }
0x56: {  	_ =	shalt  }
0x57: {  	_ =	shalt  }
0x58: {  	_ =	shalt  }
0x59: {  	_ =	shalt  }
0x5a: {  	_ =	shalt  }
0x5b: {  	_ =	shalt  }
0x5c: {  	_ =	shalt  }
0x5d: {  	_ =	shalt  }
0x5e: {  	_ =	shalt  }
0x5f: {  	_ =	shalt  }
0x60: {  	_ =	shalt  }
0x61: {  	_ =	shalt  }
0x62: {  	_ =	shalt  }
0x63: {  	_ =	shalt  }
0x64: {  	_ =	shalt  }
0x65: {  	_ =	shalt  }
0x66: {  	_ =	shalt  }
0x67: {  	_ =	shalt  }
0x68: {  	_ =	shalt  }
0x69: {  	_ =	shalt  }
0x6a: {  	_ =	shalt  }
0x6b: {  	_ =	shalt  }
0x6c: {  	_ =	shalt  }
0x6d: {  	_ =	shalt  }
0x6e: {  	_ =	shalt  }
0x6f: {  	_ =	shalt  }
0x70: {  	_ =	shalt  }
0x71: {  	_ =	shalt  }
0x72: {  	_ =	shalt  }
0x73: {  	_ =	shalt  }
0x74: {  	_ =	shalt  }
0x75: {  	_ =	shalt  }
0x76: {  	_ =	shalt  }
0x77: {  	_ =	shalt  }
0x78: {  	_ =	shalt  }
0x79: {  	_ =	shalt  }
0x7a: {  	_ =	shalt  }
0x7b: {  	_ =	shalt  }
0x7c: {  	_ =	shalt  }
0x7d: {  	_ =	shalt  }
0x7e: {  	_ =	shalt  }
0x7f: {  	_ =	shalt  }
0x80: {  	_ =	shalt  }
0x81: {  	_ =	shalt  }
0x82: {  	_ =	shalt  }
0x83: {  	_ =	shalt  }
0x84: {  	_ =	shalt  }
0x85: {  	_ =	shalt  }
0x86: {  	_ =	shalt  }
0x87: {  	_ =	shalt  }
.Lfunc_end0:
.L_simem_size_0:
called_computation.1_lowered:
.L_overlay_start_0:
0x88: {  	s2 =	sld [smem:$0x3FD9]  }
0x89: {  	s3 =	sld [smem:$0x3FFE];
	_ =	sdelay $0x1  }
0x8a: {  	s1 =	srdreg.scid  }
0x8b: {  	s0 =	sand.u32 $0x1, s1  }
0x8c: {  	s16 =	sshll.u32 s0, $0xA;
	s2 =	sadd.s32 s3, s2  }
0x8d: {  	s2 =	sadd.s32 s2, s16  }
0x8e: {  	[smem:$0x3FBD] =	sst s2  }
0x8f: {  	_ = 	snop  }
0x90: {  	(tm) =	ssettm $0x1  }
0x91: {  	s17 =	sld [smem:$0x3FFB];
	_ =	sdelay $0x3  }
0x92: {  	_ =	strace s17  }
0x93: {  	s2 =	sld [smem:$0x3FFC];
	_ =	sdelay $0x3  }
0x94: {  	_ =	strace s2  }
0x95: {  	s2 =	sld [smem:$0x3FFD];
	_ =	sdelay $0x3  }
0x96: {  	_ =	strace s2  }
0x97: {  	_ =	strace $0x8FFFFFFF  }
0x98: {  	s18 =	sld [smem:$0x3FDB];
	_ =	sdelay $0x1  }
0x99: {  	s19 =	simm.s32 $_scs_section_size  }
0x9a: {  	s4 =	simm.s32 $_size__tile_overlayer_lowered;
	s5 =	simm.s32 $_tile_overlayer_lowered  }
0x9b: {  	s22 =	simm.s32 $0x1BFF;
	s21 =	sshll.u32 s5, $0x1;
	s2 =	sadd.s32 s19, s18  }
0x9c: {  	s6 =	simm.s32 $0x0;
	s20 =	sshll.u32 s4, $0x1;
	s4 =	sadd.s32 s21, s2  }
0x9d: {  	[timem:s6], [sflag:s22] =	dma.local [hbm:s4], s20  }
0x9e: {  	_ =	swait.ge [sflag:s22], s20  }
0x9f: {  	s3 =	ssub.s32 $0x0, s20;
	[sflag:s22] =	ssyncset.done $0x0  }
0xa0: {  	[sflag:s22] =	ssyncadd.s32 s3;
	_ =	sdelay $0x1  }
0xa1: {  	s23 =	simm.s32 $0x1B8B  }
0xa2: {  	_ =	swait.ge [sflag:s23], $0x1  }
0xa3: {  	[sflag:s23] =	ssyncset.done $0x0  }
0xa4: {  	s25 =	simm.s32 $0x1B8E;
	s24 =	sld [smem:$0x3FFE];
	[sflag:s23] =	ssyncadd.s32 $0xFFFFFFFF  }
0xa5: {  	s26 =	simm.s32 $execute0_lowered;
	[smem:$0x3FD2] =	sst s25  }
0xa6: {  	s4 =	sshll.u32 s26, $0x1;
	_ =	strace $0x80000049;
	[dreg:$0x1] =	wrdreg $0xFFFFFFFF  }
0xa7: {  	s28 =	simm.s32 $_size_execute0_lowered;
	s2 =	sadd.s32 s2, s4;
	[dreg:$0x0] =	wrdreg $0x0  }
0xa8: {  	s4 =	sshll.u32 s28, $0x1;
	[dreg:$0x2] =	wrdreg s2  }
0xa9: {  	[dreg:$0x3] =	wrdreg s4  }
0xaa: {  	[dreg:$0x4] =	wrdreg $0xC0  }
0xab: {  	_ =	task [dreg:s6], $0x5FFFF  }
0xac: {  	[dreg:$0x1] =	wrdreg $0xFFFFFFFF  }
0xad: {  	[dreg:$0x0] =	wrdreg $0x60  }
0xae: {  	[dreg:$0x2] =	wrdreg s24  }
0xaf: {  	[dreg:$0x3] =	wrdreg $0x6A400  }
0xb0: {  	[dreg:$0x4] =	wrdreg $0x9  }
0xb1: {  	_ =	task.clear_ibuf [dreg:s6], $0x5FFFF;
	_ =	strace $0x90000049  }
0xb2: {  	s29 =	simm.s32 $0x9;
	_ =	strace $0x8000004B  }
0xb3: {  	_ =	swait.ge [sflag:s29], $0x1  }
0xb4: {  	[sflag:s29] =	ssyncadd.s32 $0xFFFFFFFF  }
0xb5: {  	_ =	strace $0x9000004B  }
0xb6: {  	_ =	sfence  }
0xb7: {  	s30 =	sld [smem:$0x0];
	_ =	sdelay $0x2  }
0xb8: {  	s31 =	sshll.u32 s1, $0xD;
	s1 =	sshrl.u32 s1, $0x2  }
0xb9: {  	s3 =	sand.u32 $0x4000, s31;
	s1 =	sadd.s32 s1, s30  }
0xba: {  	s0 =	sor.u32 s3, s0;
	s1 =	sshll.u32 s1, $0x11  }
0xbb: {  	s0 =	sor.u32 s1, s0  }
0xbc: {  	s0 =	sadd.s32 $0x8F2B, s0  }
0xbd: {  	[sflag:s0] =	ssyncadd.remote.s32 $0x1  }
0xbe: {  	_ =	sfence.sel $0xFFFF  }
0xbf: {  	[dreg:$0x0] =	wrdreg $0xFFFFFFFF;
	(pc) =	sbr.abs _section_cstart, $3  }
0xc0: {  	[dreg:$0x1] =	wrdreg $0xFFFFFFFF  }
0xc1: {  	_ =	task.clear_ibuf [dreg:s6], $0x2FFFF;
	_ =	strace $0x9FFFFFFF  }
0xc2: {  	(tm) =	ssettm $0x7FFFFFFF  }
0xc3: {  	_ =	shalt  }
tec
execute0_lowered:
.L_overlay_start_1:
0x0: {  	(tag) =	ssettag $0x1  }
0x1: {  	s0 =	rddreg [dreg:$0x0]  }
0x2: {  	s2 =	rddreg [dreg:$0x1]  }
0x3: {  	s3 =	simm.s32 $0x0;
	s1 =	stileid.u32;
	s4 =	srdreg.scid  }
0x4: {  	s19 =	simm.s32 $0x5;
	s20 =	simm.s32 $0x190;
	s21 =	simm.s32 $0x640  }
0x5: {  	s22 =	simm.s32 $0x320;
	s23 =	simm.s32 $0x4B0;
	s6 =	smul.u32 $0xC38, s1  }
0x6: {  	s24 =	simm.s32 $0x3840;
	s7 =	sand.u32 $0x1, s4;
	s8 =	smul.u32 $0x61C00, s1  }
0x7: {  	s4 =	sadd.s32 $0xACE00, s0;
	s5 =	sadd.s32 $0x7C000, s0;
	s25 =	smul.u32 $0xC350, s1  }
0x8: {  	s14 =	sadd.s32 $0x1A00, s0;
	s0 =	sadd.s32 $0x10EA00, s0;
	s31 =	smul.u32 $0x186A, s1  }
0x9: {  	s28 =	simm.s32 $0x0;
	s16 =	sadd.s32 $0x16E900, s2;
	s9 =	smul.u32 $0xC350, s7  }
0xa: {  	[smem:$0x7FF] =	sst s3;
	p0 =	seq.s32 s1, $0xF;
	s11 =	smul.u32 $0x186A00, s7  }
0xb: {  	_ =	strace $0x8000004A;
	s10 =	ssub.s32 $0x2, s7;
	s7 =	smul.u32 $0xC3500, s7  }
0xc: {  	s16 =	sshrl.u32 @p0 s16, $0x3;
	s12 =	sshrl.u32 s10, $0x1;
	s8 =	sshrl.u32 s8, $0x2  }
0xd: {  	s6 =	sadd.s32 s6, s9;
	s12 =	ssub.s32 s10, s12;
	s18 =	sadd.s32 s8, s2  }
0xe: {  	s29 =	sshrl.u32 s11, $0x3;
	s13 =	sadd.s32 s25, s7;
	s9 =	sshrl.u32 s25, $0x3  }
0xf: {  	s25 =	simm.s32 $0x1;
	s26 =	sshll.u32 s6, $0x2;
	s11 =	sadd.s32 $0x2DD20, s29  }
0x10: {  	s30 =	sshrl.u32 s13, $0x3;
	s9 =	sadd.s32 s14, s9;
	s12 =	smax.u32 s12, $0x1  }
0x11: {  	s15 =	sadd.s32 $0x190, s13;
	s13 =	sadd.s32 $0x320, s13;
	s14 =	sadd.s32 s31, s14  }
0x12: {  	s18 =	sshrl.u32 @!p0 s18, $0x3;
	s6 =	sadd.s32 s4, s26;
	s7 =	sadd.s32 s4, s11  }
0x13: {  	s8 =	sadd.s32 s5, s30;
	s10 =	sadd.s32 s0, s26;
	s11 =	sadd.s32 s0, s11  }
0x14: {  	s15 =	sshrl.u32 s15, $0x3;
	s0 =	sshll.u32 @!p0 s1, $0x6;
	s26 =	simm.s32 $0x3  }
0x15: {  	[dreg:$0x3] =	wrdreg s6;
	s15 =	sadd.s32 s15, s5;
	s17 =	sor.u32 @!p0 $0x1C05, s0  }
.LBB2_1:
0x16: {  	s0 =	simm.s32 @p0 $0x1FC5  }
0x17: {  	[spmem:s16], [sflag:s0] =	dma.local @p0 [hbm:s7], $0x3020  }
0x18: {  	s0 =	simm.s32 @p0 $0x5  }
0x19: {  	_ =	swait.ge @p0 [sflag:s0], $0x3020  }
0x1a: {  	[sflag:s0] =	ssyncset.done @p0 $0x0  }
0x1b: {  	[sflag:s0] =	ssyncadd.s32 @p0 $0xFFFFCFE0;
	s0 =	rddreg [dreg:$0x3]  }
0x1c: {  	[spmem:s18], [sflag:s17] =	dma.local @!p0 [hbm:s0], $0x30E0  }
0x1d: {  	s0 =	simm.s32 @!p0 $0x5  }
0x1e: {  	_ =	swait.ge @!p0 [sflag:s0], $0x30E0  }
0x1f: {  	[sflag:s0] =	ssyncset.done @!p0 $0x0  }
0x20: {  	[sflag:s0] =	ssyncadd.s32 @!p0 $0xFFFFCF20  }
0x21: {  	[bflag:$0x0] =	sbarrier.arrive $0xFFFF  }
0x22: {  	[tilespmem:s3], [sflag:$0x5] =	stream.linear.gather [hbm4b:s8+s3], $0x190, $0x38;
	[tilespmem:$0x1F0E0] =	vst v63  }
0x23: {  	_ =	swait.ge [sflag:s19], $0x190  }
0x24: {  	[sflag:s19] =	ssyncset.done $0x0  }
0x25: {  	[sflag:s19] =	ssyncadd.s32 $0xFFFFFE70  }
0x26: {  	[tilespmem:s20], [sflag:$0x5] =	stream.linear.gather [hbm4b:s9+s3], $0x190, $0x38;
	[tilespmem:$0x1F0E0] =	vst v63  }
0x27: {  	_ =	swait.ge [sflag:s19], $0x190  }
0x28: {  	[sflag:s19] =	ssyncset.done $0x0  }
0x29: {  	[sflag:s19] =	ssyncadd.s32 $0xFFFFFE70  }
0x2a: {  	[tilespmem:s21], [sflag:$0x1] =	stream.indirect.gather [hbm4b:s4+s20], $0x20, s3, s20, $0xb8;
	[tilespmem:$0x1F0E0] =	vst v63  }
0x2b: {  	s1 =	sadd.s32 $0x0, s15  }
0x2c: {  	[tilespmem:s22], [sflag:$0x5] =	stream.linear.gather [hbm4b:s1+s3], $0x190, $0x38;
	[tilespmem:$0x1F0E0] =	vst v63  }
0x2d: {  	_ =	swait.ge [sflag:s19], $0x190  }
0x2e: {  	s6 =	sadd.s32 $0x0, s14;
	[sflag:s19] =	ssyncset.done $0x0  }
0x2f: {  	s29 =	sadd.s32 $0x32, s6;
	[sflag:s19] =	ssyncadd.s32 $0xFFFFFE70  }
0x30: {  	[tilespmem:s23], [sflag:$0x5] =	stream.linear.gather [hbm4b:s29+s3], $0x190, $0x38;
	[tilespmem:$0x1F0E0] =	vst v63  }
0x31: {  	_ =	swait.ge [sflag:s19], $0x190  }
0x32: {  	[sflag:s19] =	ssyncset.done $0x0  }
0x33: {  	[sflag:s19] =	ssyncadd.s32 $0xFFFFFE70  }
0x34: {  	[tilespmem:s24], [sflag:$0x3] =	stream.indirect.gather [hbm4b:s4+s20], $0x20, s22, s20, $0xb8;
	[tilespmem:$0x1F0E0] =	vst v63  }
0x35: {  	_ =	swait.ge [sflag:s25], $0x3200  }
0x36: {  	[sflag:s25] =	ssyncset.done $0x0  }
0x37: {  	[sflag:s25] =	ssyncadd.s32 $0xFFFFCE00  }
0x38: {  	[spmem:s2] =	stream.indirect.scatter.add.f32 [tilespmem:s21], [sflag:$0x5], $0x20, s20, s20, $0xb8;
	[tilespmem:$0x1F0E0] =	vst v63  }
0x39: {  	_ =	swait.ge [sflag:s19], $0x3200  }
0x3a: {  	s29 =	sshrl.u32 s13, $0x3;
	[sflag:s19] =	ssyncset.done $0x0  }
0x3b: {  	s29 =	sadd.s32 s5, s29;
	[sflag:s19] =	ssyncadd.s32 $0xFFFFCE00  }
0x3c: {  	[tilespmem:s3], [sflag:$0x5] =	stream.linear.gather [hbm4b:s29+s3], $0x190, $0x38;
	[tilespmem:$0x1F0E0] =	vst v63  }
0x3d: {  	_ =	swait.ge [sflag:s19], $0x190  }
0x3e: {  	[sflag:s19] =	ssyncset.done $0x0  }
0x3f: {  	s0 =	sadd.s32 $0x64, s6;
	[sflag:s19] =	ssyncadd.s32 $0xFFFFFE70  }
0x40: {  	[tilespmem:s20], [sflag:$0x5] =	stream.linear.gather [hbm4b:s0+s3], $0x190, $0x38;
	[tilespmem:$0x1F0E0] =	vst v63  }
0x41: {  	_ =	swait.ge [sflag:s19], $0x190  }
0x42: {  	[sflag:s19] =	ssyncset.done $0x0  }
0x43: {  	[sflag:s19] =	ssyncadd.s32 $0xFFFFFE70  }
0x44: {  	[tilespmem:s21], [sflag:$0x1] =	stream.indirect.gather [hbm4b:s4+s20], $0x20, s3, s20, $0xb8;
	[tilespmem:$0x1F0E0] =	vst v63  }
0x45: {  	_ =	swait.ge [sflag:s26], $0x3200  }
0x46: {  	[sflag:s26] =	ssyncset.done $0x0  }
0x47: {  	[sflag:s26] =	ssyncadd.s32 $0xFFFFCE00  }
0x48: {  	[spmem:s2] =	stream.indirect.scatter.add.f32 [tilespmem:s24], [sflag:$0x5], $0x20, s23, s20, $0xb8;
	[tilespmem:$0x1F0E0] =	vst v63  }
0x49: {  	s30 =	simm.s32 $0x64;
	_ =	swait.ge [sflag:s19], $0x3200  }
0x4a: {  	s31 =	simm.s32 $0xC8;
	s29 =	sadd.s32 $0x320, s13;
	[sflag:s19] =	ssyncset.done $0x0  }
.LBB2_2:
0x4b: {  	s1 =	sadd.s32 s30, s15  }
0x4c: {  	[sflag:s19] =	ssyncadd.s32 $0xFFFFCE00;
	s6 =	smov.u32 s31;
	s0 =	sadd.s32 $0x64, s31  }
0x4d: {  	[tilespmem:s22], [sflag:$0x5] =	stream.linear.gather [hbm4b:s1+s3], $0x190, $0x38;
	[tilespmem:$0x1F0E0] =	vst v63  }
0x4e: {  	p1 =	sne.s32 s31, $0x17D4;
	_ =	swait.ge [sflag:s19], $0x190  }
0x4f: {  	s1 =	sadd.s32 s30, s14;
	s30 =	smov.u32 s6;
	[sflag:s19] =	ssyncset.done $0x0  }
0x50: {  	s6 =	sadd.s32 $0x32, s1;
	[sflag:s19] =	ssyncadd.s32 $0xFFFFFE70  }
0x51: {  	[tilespmem:s23], [sflag:$0x5] =	stream.linear.gather [hbm4b:s6+s3], $0x190, $0x38;
	[tilespmem:$0x1F0E0] =	vst v63  }
0x52: {  	_ =	swait.ge [sflag:s19], $0x190  }
0x53: {  	[sflag:s19] =	ssyncset.done $0x0  }
0x54: {  	[sflag:s19] =	ssyncadd.s32 $0xFFFFFE70  }
0x55: {  	[tilespmem:s24], [sflag:$0x3] =	stream.indirect.gather [hbm4b:s4+s20], $0x20, s22, s20, $0xb8;
	[tilespmem:$0x1F0E0] =	vst v63  }
0x56: {  	_ =	swait.ge [sflag:s25], $0x3200  }
0x57: {  	[sflag:s25] =	ssyncset.done $0x0  }
0x58: {  	[sflag:s25] =	ssyncadd.s32 $0xFFFFCE00  }
0x59: {  	[spmem:s2] =	stream.indirect.scatter.add.f32 [tilespmem:s21], [sflag:$0x5], $0x20, s20, s20, $0xb8;
	[tilespmem:$0x1F0E0] =	vst v63  }
0x5a: {  	_ =	swait.ge [sflag:s19], $0x3200  }
0x5b: {  	s6 =	sshrl.u32 s29, $0x3;
	[sflag:s19] =	ssyncset.done $0x0  }
0x5c: {  	s6 =	sadd.s32 s5, s6;
	[sflag:s19] =	ssyncadd.s32 $0xFFFFCE00  }
0x5d: {  	[tilespmem:s3], [sflag:$0x5] =	stream.linear.gather [hbm4b:s6+s3], $0x190, $0x38;
	[tilespmem:$0x1F0E0] =	vst v63  }
0x5e: {  	_ =	swait.ge [sflag:s19], $0x190  }
0x5f: {  	[sflag:s19] =	ssyncset.done $0x0  }
0x60: {  	s1 =	sadd.s32 $0x64, s1;
	[sflag:s19] =	ssyncadd.s32 $0xFFFFFE70  }
0x61: {  	[tilespmem:s20], [sflag:$0x5] =	stream.linear.gather [hbm4b:s1+s3], $0x190, $0x38;
	[tilespmem:$0x1F0E0] =	vst v63  }
0x62: {  	_ =	swait.ge [sflag:s19], $0x190  }
0x63: {  	[sflag:s19] =	ssyncset.done $0x0  }
0x64: {  	[sflag:s19] =	ssyncadd.s32 $0xFFFFFE70  }
0x65: {  	[tilespmem:s21], [sflag:$0x1] =	stream.indirect.gather [hbm4b:s4+s20], $0x20, s3, s20, $0xb8;
	[tilespmem:$0x1F0E0] =	vst v63  }
0x66: {  	_ =	swait.ge [sflag:s26], $0x3200  }
.Ltmp0:
0x67: {  	[sflag:s26] =	ssyncset.done $0x0;
	(pc) =	sbr.rel @p1 .LBB2_2-.Ltmp0, $4  }
0x68: {  	[sflag:s26] =	ssyncadd.s32 $0xFFFFCE00  }
0x69: {  	[spmem:s2] =	stream.indirect.scatter.add.f32 [tilespmem:s24], [sflag:$0x5], $0x20, s23, s20, $0xb8;
	[tilespmem:$0x1F0E0] =	vst v63  }
0x6a: {  	_ =	swait.ge [sflag:s19], $0x3200  }
0x6b: {  	s31 =	smov.u32 s0;
	s29 =	sadd.s32 $0x320, s29;
	[sflag:s19] =	ssyncset.done $0x0  }
0x6c: {  	s0 =	sadd.s32 s30, s15;
	[sflag:s19] =	ssyncadd.s32 $0xFFFFCE00  }
0x6d: {  	[tilespmem:s22], [sflag:$0x5] =	stream.linear.gather [hbm4b:s0+s3], $0x190, $0x38;
	[tilespmem:$0x1F0E0] =	vst v63  }
0x6e: {  	_ =	swait.ge [sflag:s19], $0x190  }
0x6f: {  	s30 =	sadd.s32 s30, s14;
	[sflag:s19] =	ssyncset.done $0x0  }
0x70: {  	s1 =	sadd.s32 $0x32, s30;
	[sflag:s19] =	ssyncadd.s32 $0xFFFFFE70  }
0x71: {  	[tilespmem:s23], [sflag:$0x5] =	stream.linear.gather [hbm4b:s1+s3], $0x190, $0x38;
	[tilespmem:$0x1F0E0] =	vst v63  }
0x72: {  	_ =	swait.ge [sflag:s19], $0x190  }
0x73: {  	[sflag:s19] =	ssyncset.done $0x0  }
0x74: {  	[sflag:s19] =	ssyncadd.s32 $0xFFFFFE70  }
0x75: {  	[tilespmem:s24], [sflag:$0x3] =	stream.indirect.gather [hbm4b:s4+s20], $0x20, s22, s20, $0xb8;
	[tilespmem:$0x1F0E0] =	vst v63  }
0x76: {  	_ =	swait.ge [sflag:s25], $0x3200  }
0x77: {  	[sflag:s25] =	ssyncset.done $0x0  }
0x78: {  	[sflag:s25] =	ssyncadd.s32 $0xFFFFCE00  }
0x79: {  	[spmem:s2] =	stream.indirect.scatter.add.f32 [tilespmem:s21], [sflag:$0x5], $0x20, s20, s20, $0xb8;
	[tilespmem:$0x1F0E0] =	vst v63  }
0x7a: {  	_ =	swait.ge [sflag:s19], $0x3200  }
0x7b: {  	s31 =	sshrl.u32 s29, $0x3;
	[sflag:s19] =	ssyncset.done $0x0  }
0x7c: {  	s1 =	sadd.s32 s5, s31;
	[sflag:s19] =	ssyncadd.s32 $0xFFFFCE00  }
0x7d: {  	[tilespmem:s3], [sflag:$0x5] =	stream.linear.gather [hbm4b:s1+s3], $0x190, $0x38;
	[tilespmem:$0x1F0E0] =	vst v63  }
0x7e: {  	_ =	swait.ge [sflag:s19], $0x190  }
0x7f: {  	[sflag:s19] =	ssyncset.done $0x0  }
0x80: {  	s0 =	sadd.s32 $0x64, s30;
	[sflag:s19] =	ssyncadd.s32 $0xFFFFFE70  }
0x81: {  	[tilespmem:s20], [sflag:$0x5] =	stream.linear.gather [hbm4b:s0+s3], $0x190, $0x38;
	[tilespmem:$0x1F0E0] =	vst v63  }
0x82: {  	_ =	swait.ge [sflag:s19], $0x190  }
0x83: {  	[sflag:s19] =	ssyncset.done $0x0  }
0x84: {  	[sflag:s19] =	ssyncadd.s32 $0xFFFFFE70  }
0x85: {  	[tilespmem:s21], [sflag:$0x1] =	stream.indirect.gather [hbm4b:s4+s20], $0x20, s3, s20, $0xb8;
	[tilespmem:$0x1F0E0] =	vst v63  }
0x86: {  	_ =	swait.ge [sflag:s26], $0x3200  }
0x87: {  	[sflag:s26] =	ssyncset.done $0x0  }
0x88: {  	[sflag:s26] =	ssyncadd.s32 $0xFFFFCE00  }
0x89: {  	[spmem:s2] =	stream.indirect.scatter.add.f32 [tilespmem:s24], [sflag:$0x5], $0x20, s23, s20, $0xb8;
	[tilespmem:$0x1F0E0] =	vst v63  }
0x8a: {  	_ =	swait.ge [sflag:s19], $0x3200  }
0x8b: {  	[sflag:s19] =	ssyncset.done $0x0  }
0x8c: {  	[sflag:s19] =	ssyncadd.s32 $0xFFFFCE00  }
0x8d: {  	_ =	swait.ge [sflag:s25], $0x3200  }
0x8e: {  	[sflag:s25] =	ssyncset.done $0x0  }
0x8f: {  	[sflag:s25] =	ssyncadd.s32 $0xFFFFCE00  }
0x90: {  	[spmem:s2] =	stream.indirect.scatter.add.f32 [tilespmem:s21], [sflag:$0x5], $0x20, s20, s20, $0xb8;
	[tilespmem:$0x1F0E0] =	vst v63  }
0x91: {  	_ =	swait.ge [sflag:s19], $0x3200  }
0x92: {  	[sflag:s19] =	ssyncset.done $0x0  }
0x93: {  	[sflag:s19] =	ssyncadd.s32 $0xFFFFCE00  }
0x94: {  	s0 =	simm.s32 @p0 $0x1FC5;
	[bflag:$0x0] =	sbarrier.arrive $0xFFFF  }
0x95: {  	[hbm:s11], [sflag:s0] =	dma.local @p0 [spmem:s16], $0x3020  }
0x96: {  	s0 =	simm.s32 @p0 $0x5  }
0x97: {  	s28 =	sadd.s32 $0x1, s28;
	_ =	swait.ge @p0 [sflag:s0], $0x3020  }
0x98: {  	p1 =	sne.s32 s28, s12;
	[sflag:s0] =	ssyncset.done @p0 $0x0  }
.Ltmp1:
0x99: {  	[sflag:s0] =	ssyncadd.s32 @p0 $0xFFFFCFE0;
	s0 =	simm.s32 @!p0 $0x5;
	(pc) =	sbr.rel @p1 .LBB2_1-.Ltmp1, $4  }
0x9a: {  	[hbm:s10], [sflag:s17] =	dma.local @!p0 [spmem:s18], $0x30E0  }
0x9b: {  	_ =	swait.ge @!p0 [sflag:s0], $0x30E0  }
0x9c: {  	[sflag:s0] =	ssyncset.done @!p0 $0x0  }
0x9d: {  	[sflag:s0] =	ssyncadd.s32 @!p0 $0xFFFFCF20  }
0x9e: {  	_ =	sfence.sel $0x180000  }
0x9f: {  	[bflag:$0x0] =	sbarrier.arrive $0xFFFF  }
0xa0: {  	_ =	strace $0x9000004A  }
0xa1: {  	s0 =	stileid.u32;
	[bflag:$0x2] =	sbarrier.arrive $0xFFFF  }
0xa2: {  	p0 =	sne.s32 s0, $0x0;
	s0 =	rddreg [dreg:$0x2]  }
0xa3: {  	s0 =	sadd.s32 @!p0 $0x100000, s0  }
0xa4: {  	[sflag:s0] =	ssyncadd.tile.s32 @!p0 $0x1;
	_ =	shalt  }
.Lfunc_end2:
_tile_overlayer_lowered:
.L_overlay_start_2:
0xa5: {  	(tag) =	ssettag $0x2  }
0xa6: {  	s0 =	rddreg [dreg:$0x0];
	s2 =	stileid.u32  }
0xa7: {  	s1 =	rddreg [dreg:$0x1];
	p0 =	sne.s32 s2, $0x0  }
0xa8: {  	s3 =	rddreg [dreg:$0x2];
	[bflag:$0x3] =	sbarrier.arrive $0xFFFF;
	s2 =	simm.s32 @!p0 $0x1C05  }
0xa9: {  	[timem:s3], [sflag:s2] =	dma.local @!p0 [hbm:s0], s1  }
0xaa: {  	s0 =	simm.s32 @!p0 $0x5  }
0xab: {  	_ =	swait.ge @!p0 [sflag:s0], s1  }
0xac: {  	s1 =	ssub.s32 @!p0 $0x0, s1;
	[sflag:s0] =	ssyncset.done @!p0 $0x0  }
0xad: {  	[sflag:s0] =	ssyncadd.s32 @!p0 s1  }
0xae: {  	[bflag:$0x3] =	sbarrier.arrive $0xFFFF  }
0xaf: {  	_ =	shalt  }

// kernel: kernel.14.cloned.1.call-start
scs
__scs_entry_jumppad:
0x0: {  	(pc) =	sbr.rel $0x88, $3  }
0x1: {  	(tag) =	ssettag $0x0;
	lr =	simm.s32 $0x1  }
0x2: {  	[smem:$0x3F96] =	sst lr;
	_ =	strace $0xD0000000  }
0x3: {  	_ = 	snop  }
0x4: {  	_ = 	snop  }
0x5: {  	_ = 	snop  }
0x6: {  	_ = 	snop  }
0x7: {  	_ = 	snop  }
__scs_overlays_trampoline_lowered:
0x8: {  	[smem:$0x3FA5] =	sst s0  }
0x9: {  	[smem:$0x3FA6] =	sst s1  }
0xa: {  	[smem:$0x3FA7] =	sst s2  }
0xb: {  	[smem:$0x3FA8] =	sst s3  }
0xc: {  	[smem:$0x3FA9] =	sst s4  }
0xd: {  	[smem:$0x3FAA] =	sst s5  }
0xe: {  	[smem:$0x3FAB] =	sst s6  }
0xf: {  	[smem:$0x3FAC] =	sst s7  }
0x10: {  	[smem:$0x3FAD] =	sst s8  }
0x11: {  	[smem:$0x3FAE] =	sst s9;
	s0 =	simm.s32 @!p0 $0x0  }
0x12: {  	s1 =	sld [smem:$0x3F94];
	s0 =	simm.s32 @p0 $0x1  }
0x13: {  	[smem:$0x3FAF] =	sst s0;
	s0 =	simm.s32 @!p1 $0x0  }
0x14: {  	s2 =	sld [smem:$0x3F93];
	s0 =	simm.s32 @p1 $0x1  }
0x15: {  	[smem:$0x3FB0] =	sst s0;
	s0 =	simm.s32 @!p2 $0x0  }
0x16: {  	s3 =	sld [smem:$0x3FDB];
	s0 =	simm.s32 @p2 $0x1  }
0x17: {  	s4 =	simm.s32 $0x1BF5;
	[smem:$0x3FB2] =	sst s0  }
0x18: {  	s0 =	sld [smem:$0x3F95];
	_ =	swait.ge [sflag:s4], $0x0  }
0x19: {  	s7 =	sld [smem:$0x3F96]  }
0x1a: {  	s8 =	sadd.s32 $0xFFFFE003, lr  }
0x1b: {  	s9 =	sadd.s32 $0xFFFFFEF7, lr;
	s5 =	simm.s32 $0xFFFFFFFF;
	p2 =	slt.u32 s8, $0xFFFFF086  }
0x1c: {  	p1 =	slt.u32 s9, $0xF7A;
	s5 =	simm.s32 @!p2 $0x0  }
0x1d: {  	s5 =	simm.s32 @p1 $0x1;
	p0 =	seq.s32 s7, s2  }
0x1e: {  	s7 =	smul.u32 @!p0 $0xF7A, s2;
	p2 =	seq.s32 @!p0 s5, $0x0  }
0x1f: {  	s9 =	smul.u32 $0xF7A, s1;
	s8 =	simm.s32 @!p0 $0x1BF5;
	p2 =	por !p2, p0  }
0x20: {  	[sflag:s8] =	ssyncset.s32 @!p0 $0xFFFFF086;
	s6 =	sadd.s32 @!p0 s3, s7;
	s7 =	simm.s32 @!p0 $0x108  }
0x21: {  	s3 =	sadd.s32 s3, s9;
	s6 =	sadd.s32 @!p0 $0x88, s6;
	s7 =	simm.s32 @p2 $0x1082  }
0x22: {  	[simem:s7], [sflag:s8] =	dma.local @!p0 [hbm:s6], $0xF7A  }
0x23: {  	s9 =	sor.u32 $0xD0000000, s2;
	s6 =	simm.s32 $0x108;
	_ =	swait.ge @!p0 [sflag:s8], $0x0  }
0x24: {  	s3 =	sadd.s32 $0x88, s3;
	s6 =	simm.s32 @!p1 $0x1082;
	[sflag:s4] =	ssyncset.s32 $0xFFFFF086  }
0x25: {  	[simem:s6], [sflag:s4] =	dma.local [hbm:s3], $0xF7A  }
0x26: {  	[smem:$0x3F96] =	sst s1;
	(tag) =	ssettag s2;
	_ =	strace s9  }
0x27: {  	s1 =	sld [smem:$0x3FA6]  }
0x28: {  	s2 =	sld [smem:$0x3FA7]  }
0x29: {  	s4 =	sld [smem:$0x3FA9]  }
0x2a: {  	p0 =	seq.s32 s5, $0x0;
	s5 =	sld [smem:$0x3FAA]  }
0x2b: {  	s6 =	sld [smem:$0x3FAB]  }
0x2c: {  	s7 =	sld [smem:$0x3FAC]  }
0x2d: {  	s3 =	simm.s32 $0x108;
	s8 =	sld [smem:$0x3FAD]  }
0x2e: {  	s3 =	simm.s32 @!p0 $0x1082;
	s9 =	sld [smem:$0x3FAE]  }
0x2f: {  	lr =	sadd.s32 s0, s3;
	s0 =	sld [smem:$0x3FA5]  }
0x30: {  	s3 =	sld [smem:$0x3FA8]  }
0x31: {  	[smem:$0x3FB1] =	sst s10  }
0x32: {  	s10 =	sld [smem:$0x3FAF];
	_ =	sdelay $0x3  }
0x33: {  	p0 =	seq.s32 s10, $0x1;
	s10 =	sld [smem:$0x3FB1];
	_ =	sdelay $0x3  }
0x34: {  	[smem:$0x3FB1] =	sst s10  }
0x35: {  	s10 =	sld [smem:$0x3FB0];
	_ =	sdelay $0x3  }
0x36: {  	p1 =	seq.s32 s10, $0x1;
	s10 =	sld [smem:$0x3FB1];
	_ =	sdelay $0x3  }
0x37: {  	[smem:$0x3FB1] =	sst s10  }
0x38: {  	s10 =	sld [smem:$0x3FB2]  }
0x39: {  	_ = 	snop;
	(pc) =	sbr.ind lr, $3  }
0x3a: {  	_ = 	snop  }
0x3b: {  	_ = 	snop  }
0x3c: {  	p2 =	seq.s32 s10, $0x1;
	s10 =	sld [smem:$0x3FB1]  }
0x3d: {  	_ =	shalt  }
0x3e: {  	_ =	shalt  }
0x3f: {  	_ =	shalt  }
0x40: {  	_ =	shalt  }
0x41: {  	_ =	shalt  }
0x42: {  	_ =	shalt  }
0x43: {  	_ =	shalt  }
0x44: {  	_ =	shalt  }
0x45: {  	_ =	shalt  }
0x46: {  	_ =	shalt  }
0x47: {  	_ =	shalt  }
0x48: {  	_ =	shalt  }
0x49: {  	_ =	shalt  }
0x4a: {  	_ =	shalt  }
0x4b: {  	_ =	shalt  }
0x4c: {  	_ =	shalt  }
0x4d: {  	_ =	shalt  }
0x4e: {  	_ =	shalt  }
0x4f: {  	_ =	shalt  }
0x50: {  	_ =	shalt  }
0x51: {  	_ =	shalt  }
0x52: {  	_ =	shalt  }
0x53: {  	_ =	shalt  }
0x54: {  	_ =	shalt  }
0x55: {  	_ =	shalt  }
0x56: {  	_ =	shalt  }
0x57: {  	_ =	shalt  }
0x58: {  	_ =	shalt  }
0x59: {  	_ =	shalt  }
0x5a: {  	_ =	shalt  }
0x5b: {  	_ =	shalt  }
0x5c: {  	_ =	shalt  }
0x5d: {  	_ =	shalt  }
0x5e: {  	_ =	shalt  }
0x5f: {  	_ =	shalt  }
0x60: {  	_ =	shalt  }
0x61: {  	_ =	shalt  }
0x62: {  	_ =	shalt  }
0x63: {  	_ =	shalt  }
0x64: {  	_ =	shalt  }
0x65: {  	_ =	shalt  }
0x66: {  	_ =	shalt  }
0x67: {  	_ =	shalt  }
0x68: {  	_ =	shalt  }
0x69: {  	_ =	shalt  }
0x6a: {  	_ =	shalt  }
0x6b: {  	_ =	shalt  }
0x6c: {  	_ =	shalt  }
0x6d: {  	_ =	shalt  }
0x6e: {  	_ =	shalt  }
0x6f: {  	_ =	shalt  }
0x70: {  	_ =	shalt  }
0x71: {  	_ =	shalt  }
0x72: {  	_ =	shalt  }
0x73: {  	_ =	shalt  }
0x74: {  	_ =	shalt  }
0x75: {  	_ =	shalt  }
0x76: {  	_ =	shalt  }
0x77: {  	_ =	shalt  }
0x78: {  	_ =	shalt  }
0x79: {  	_ =	shalt  }
0x7a: {  	_ =	shalt  }
0x7b: {  	_ =	shalt  }
0x7c: {  	_ =	shalt  }
0x7d: {  	_ =	shalt  }
0x7e: {  	_ =	shalt  }
0x7f: {  	_ =	shalt  }
0x80: {  	_ =	shalt  }
0x81: {  	_ =	shalt  }
0x82: {  	_ =	shalt  }
0x83: {  	_ =	shalt  }
0x84: {  	_ =	shalt  }
0x85: {  	_ =	shalt  }
0x86: {  	_ =	shalt  }
0x87: {  	_ =	shalt  }
.Lfunc_end0:
.L_simem_size_0:
called_computation.2_lowered:
.L_overlay_start_0:
0x88: {  	s2 =	sld [smem:$0x3FD9]  }
0x89: {  	s3 =	sld [smem:$0x3FFE];
	_ =	sdelay $0x1  }
0x8a: {  	s1 =	srdreg.scid  }
0x8b: {  	s0 =	sand.u32 $0x1, s1  }
0x8c: {  	s16 =	sshll.u32 s0, $0xA;
	s2 =	sadd.s32 s3, s2  }
0x8d: {  	s2 =	sadd.s32 s2, s16  }
0x8e: {  	[smem:$0x3FBD] =	sst s2  }
0x8f: {  	_ = 	snop  }
0x90: {  	(tm) =	ssettm $0x1  }
0x91: {  	s17 =	sld [smem:$0x3FFB];
	_ =	sdelay $0x3  }
0x92: {  	_ =	strace s17  }
0x93: {  	s2 =	sld [smem:$0x3FFC];
	_ =	sdelay $0x3  }
0x94: {  	_ =	strace s2  }
0x95: {  	s2 =	sld [smem:$0x3FFD];
	_ =	sdelay $0x3  }
0x96: {  	_ =	strace s2  }
0x97: {  	_ =	strace $0x8FFFFFFF  }
0x98: {  	s18 =	sld [smem:$0x3FDB];
	_ =	sdelay $0x1  }
0x99: {  	s19 =	simm.s32 $_scs_section_size  }
0x9a: {  	s4 =	simm.s32 $_size__tile_overlayer_lowered;
	s5 =	simm.s32 $_tile_overlayer_lowered  }
0x9b: {  	s22 =	simm.s32 $0x1BFF;
	s21 =	sshll.u32 s5, $0x1;
	s2 =	sadd.s32 s19, s18  }
0x9c: {  	s6 =	simm.s32 $0x0;
	s20 =	sshll.u32 s4, $0x1;
	s4 =	sadd.s32 s21, s2  }
0x9d: {  	[timem:s6], [sflag:s22] =	dma.local [hbm:s4], s20  }
0x9e: {  	_ =	swait.ge [sflag:s22], s20  }
0x9f: {  	s3 =	ssub.s32 $0x0, s20;
	[sflag:s22] =	ssyncset.done $0x0  }
0xa0: {  	[sflag:s22] =	ssyncadd.s32 s3;
	_ =	sdelay $0x1  }
0xa1: {  	s23 =	simm.s32 $0x1B8B  }
0xa2: {  	_ =	swait.ge [sflag:s23], $0x1  }
0xa3: {  	[sflag:s23] =	ssyncset.done $0x0  }
0xa4: {  	s25 =	simm.s32 $0x1B8E;
	s24 =	sld [smem:$0x3FFE];
	[sflag:s23] =	ssyncadd.s32 $0xFFFFFFFF  }
0xa5: {  	s26 =	simm.s32 $execute0_lowered;
	[smem:$0x3FD2] =	sst s25  }
0xa6: {  	s4 =	sshll.u32 s26, $0x1;
	_ =	strace $0x8000004C;
	[dreg:$0x1] =	wrdreg $0xFFFFFFFF  }
0xa7: {  	s28 =	simm.s32 $_size_execute0_lowered;
	s2 =	sadd.s32 s2, s4;
	[dreg:$0x0] =	wrdreg $0x0  }
0xa8: {  	s4 =	sshll.u32 s28, $0x1;
	[dreg:$0x2] =	wrdreg s2  }
0xa9: {  	[dreg:$0x3] =	wrdreg s4  }
0xaa: {  	[dreg:$0x4] =	wrdreg $0xC0  }
0xab: {  	_ =	task [dreg:s6], $0x5FFFF  }
0xac: {  	[dreg:$0x1] =	wrdreg $0xFFFFFFFF  }
0xad: {  	[dreg:$0x0] =	wrdreg $0x60  }
0xae: {  	[dreg:$0x2] =	wrdreg s24  }
0xaf: {  	[dreg:$0x3] =	wrdreg $0x35200  }
0xb0: {  	[dreg:$0x4] =	wrdreg $0x9  }
0xb1: {  	_ =	task.clear_ibuf [dreg:s6], $0x5FFFF;
	_ =	strace $0x9000004C  }
0xb2: {  	s29 =	simm.s32 $0x9;
	_ =	strace $0x8000004E  }
0xb3: {  	_ =	swait.ge [sflag:s29], $0x1  }
0xb4: {  	[sflag:s29] =	ssyncadd.s32 $0xFFFFFFFF  }
0xb5: {  	_ =	strace $0x9000004E  }
0xb6: {  	_ =	sfence  }
0xb7: {  	s30 =	sld [smem:$0x0];
	_ =	sdelay $0x2  }
0xb8: {  	s31 =	sshll.u32 s1, $0xD;
	s1 =	sshrl.u32 s1, $0x2  }
0xb9: {  	s3 =	sand.u32 $0x4000, s31;
	s1 =	sadd.s32 s1, s30  }
0xba: {  	s0 =	sor.u32 s3, s0;
	s1 =	sshll.u32 s1, $0x11  }
0xbb: {  	s0 =	sor.u32 s1, s0  }
0xbc: {  	s0 =	sadd.s32 $0x8F2B, s0  }
0xbd: {  	[sflag:s0] =	ssyncadd.remote.s32 $0x1  }
0xbe: {  	_ =	sfence.sel $0xFFFF  }
0xbf: {  	[dreg:$0x0] =	wrdreg $0xFFFFFFFF;
	(pc) =	sbr.abs _section_cstart, $3  }
0xc0: {  	[dreg:$0x1] =	wrdreg $0xFFFFFFFF  }
0xc1: {  	_ =	task.clear_ibuf [dreg:s6], $0x2FFFF;
	_ =	strace $0x9FFFFFFF  }
0xc2: {  	(tm) =	ssettm $0x7FFFFFFF  }
0xc3: {  	_ =	shalt  }
tec
execute0_lowered:
.L_overlay_start_1:
0x0: {  	(tag) =	ssettag $0x1  }
0x1: {  	s0 =	rddreg [dreg:$0x0]  }
0x2: {  	s1 =	rddreg [dreg:$0x1]  }
0x3: {  	s2 =	simm.s32 $0x0;
	s3 =	srdreg.scid;
	s18 =	stileid.u32  }
0x4: {  	s28 =	simm.s32 $0x1;
	s29 =	simm.s32 $0x3;
	s30 =	simm.s32 $0x0  }
0x5: {  	[smem:$0x7FF] =	sst s2;
	s4 =	sadd.s32 $0xF6000, s0;
	s7 =	smul.u32 $0x30E0, s18  }
0x6: {  	s5 =	sadd.s32 $0x1A200, s0;
	s9 =	smul.u32 $0x18700, s18;
	s12 =	sadd.s32 $0x126E00, s0  }
0x7: {  	s3 =	sand.u32 $0x1, s3;
	s21 =	smul.u32 $0x61A8, s18;
	s17 =	sadd.s32 $0x16E900, s1  }
0x8: {  	s6 =	sadd.s32 $0x1A00, s0;
	s16 =	smul.u32 $0x61C00, s18;
	s0 =	sadd.s32 $0x123D20, s0  }
0x9: {  	p0 =	seq.s32 s18, $0xF;
	_ =	strace $0x8000004D;
	s11 =	smul.u32 $0x61A80, s3  }
0xa: {  	s8 =	ssub.s32 $0x2, s3;
	s14 =	smul.u32 $0x30D40, s3;
	[dreg:$0x4] =	wrdreg s0  }
0xb: {  	s3 =	smul.u32 $0x186A00, s3;
	s17 =	sshrl.u32 @p0 s17, $0x3;
	s10 =	sshrl.u32 s8, $0x1  }
0xc: {  	s20 =	sshrl.u32 s9, $0x3;
	s19 =	sadd.s32 s9, s1;
	s25 =	sshrl.u32 s16, $0x2  }
0xd: {  	s13 =	ssub.s32 s8, s10;
	s8 =	sadd.s32 s4, s20;
	s15 =	sadd.s32 s21, s11  }
0xe: {  	s24 =	sadd.s32 s7, s14;
	s3 =	sshrl.u32 s3, $0x3;
	s0 =	sadd.s32 s25, s1  }
0xf: {  	s19 =	sshrl.u32 @!p0 s19, $0x3;
	s20 =	simm.s32 $0x5;
	s21 =	simm.s32 $0xC8  }
0x10: {  	[dreg:$0x3] =	wrdreg s8;
	s22 =	sshrl.u32 s15, $0x3;
	s11 =	sadd.s32 s12, s24  }
0x11: {  	s3 =	sadd.s32 s12, s3;
	s26 =	sadd.s32 $0xC8, s15;
	s13 =	smax.u32 s13, $0x1  }
0x12: {  	s14 =	sadd.s32 $0x190, s15;
	s24 =	simm.s32 $0x258;
	s25 =	sshrl.u32 @!p0 s0, $0x3  }
0x13: {  	s23 =	sadd.s32 s5, s22;
	s10 =	sadd.s32 s6, s22;
	s12 =	sadd.s32 $0x2DD20, s3  }
0x14: {  	s31 =	sshrl.u32 s26, $0x3;
	s3 =	sshll.u32 @!p0 s18, $0x6;
	s22 =	simm.s32 $0x320  }
0x15: {  	s26 =	simm.s32 $0x1C20;
	[dreg:$0x5] =	wrdreg s23;
	s15 =	sadd.s32 s31, s6  }
0x16: {  	s16 =	sadd.s32 s31, s5;
	s18 =	sor.u32 @!p0 $0x1C05, s3;
	s23 =	simm.s32 $0x190  }
.LBB2_1:
0x17: {  	s0 =	simm.s32 @p0 $0x1FC5;
	s3 =	rddreg [dreg:$0x4]  }
0x18: {  	[spmem:s17], [sflag:s0] =	dma.local @p0 [hbm:s3], $0x3020  }
0x19: {  	s0 =	simm.s32 @p0 $0x5  }
0x1a: {  	_ =	swait.ge @p0 [sflag:s0], $0x3020  }
0x1b: {  	[sflag:s0] =	ssyncset.done @p0 $0x0  }
0x1c: {  	[sflag:s0] =	ssyncadd.s32 @p0 $0xFFFFCFE0;
	s0 =	rddreg [dreg:$0x3]  }
0x1d: {  	[spmem:s19], [sflag:s18] =	dma.local @!p0 [hbm:s0], $0x30E0  }
0x1e: {  	s0 =	simm.s32 @!p0 $0x5  }
0x1f: {  	_ =	swait.ge @!p0 [sflag:s0], $0x30E0  }
0x20: {  	[sflag:s0] =	ssyncset.done @!p0 $0x0  }
0x21: {  	[sflag:s0] =	ssyncadd.s32 @!p0 $0xFFFFCF20  }
0x22: {  	[bflag:$0x0] =	sbarrier.arrive $0xFFFF  }
0x23: {  	s9 =	rddreg [dreg:$0x5]  }
0x24: {  	[tilespmem:s2], [sflag:$0x5] =	stream.linear.gather [hbm4b:s9+s2], $0xC8, $0x38;
	[tilespmem:$0x1BBC0] =	vst v63  }
0x25: {  	_ =	swait.ge [sflag:s20], $0xC8  }
0x26: {  	[sflag:s20] =	ssyncset.done $0x0  }
0x27: {  	[sflag:s20] =	ssyncadd.s32 $0xFFFFFF38  }
0x28: {  	[tilespmem:s21], [sflag:$0x5] =	stream.linear.gather [hbm4b:s10+s2], $0xC8, $0x38;
	[tilespmem:$0x1BBC0] =	vst v63  }
0x29: {  	_ =	swait.ge [sflag:s20], $0xC8  }
0x2a: {  	[sflag:s20] =	ssyncset.done $0x0  }
0x2b: {  	[sflag:s20] =	ssyncadd.s32 $0xFFFFFF38  }
0x2c: {  	[tilespmem:s22], [sflag:$0x1] =	stream.indirect.gather [hbm4b:s4+s21], $0x20, s2, s21, $0xb8;
	[tilespmem:$0x1BBC0] =	vst v63  }
0x2d: {  	s3 =	sadd.s32 $0x0, s16  }
0x2e: {  	[tilespmem:s23], [sflag:$0x5] =	stream.linear.gather [hbm4b:s3+s2], $0xC8, $0x38;
	[tilespmem:$0x1BBC0] =	vst v63  }
0x2f: {  	_ =	swait.ge [sflag:s20], $0xC8  }
0x30: {  	[sflag:s20] =	ssyncset.done $0x0  }
0x31: {  	s7 =	sadd.s32 $0x0, s15;
	[sflag:s20] =	ssyncadd.s32 $0xFFFFFF38  }
0x32: {  	[tilespmem:s24], [sflag:$0x5] =	stream.linear.gather [hbm4b:s7+s2], $0xC8, $0x38;
	[tilespmem:$0x1BBC0] =	vst v63  }
0x33: {  	_ =	swait.ge [sflag:s20], $0xC8  }
0x34: {  	[sflag:s20] =	ssyncset.done $0x0  }
0x35: {  	[sflag:s20] =	ssyncadd.s32 $0xFFFFFF38  }
0x36: {  	[tilespmem:s26], [sflag:$0x3] =	stream.indirect.gather [hbm4b:s4+s21], $0x20, s23, s21, $0xb8;
	[tilespmem:$0x1BBC0] =	vst v63  }
0x37: {  	_ =	swait.ge [sflag:s28], $0x1900  }
0x38: {  	[sflag:s28] =	ssyncset.done $0x0  }
0x39: {  	[sflag:s28] =	ssyncadd.s32 $0xFFFFE700  }
0x3a: {  	[spmem:s1] =	stream.indirect.scatter.add.f32 [tilespmem:s22], [sflag:$0x5], $0x20, s21, s21, $0xb8;
	[tilespmem:$0x1BBC0] =	vst v63  }
0x3b: {  	_ =	swait.ge [sflag:s20], $0x1900  }
0x3c: {  	s8 =	sshrl.u32 s14, $0x3;
	[sflag:s20] =	ssyncset.done $0x0  }
0x3d: {  	s9 =	sadd.s32 s5, s8;
	[sflag:s20] =	ssyncadd.s32 $0xFFFFE700  }
0x3e: {  	[tilespmem:s2], [sflag:$0x5] =	stream.linear.gather [hbm4b:s9+s2], $0xC8, $0x38;
	[tilespmem:$0x1BBC0] =	vst v63  }
0x3f: {  	_ =	swait.ge [sflag:s20], $0xC8  }
0x40: {  	[sflag:s20] =	ssyncset.done $0x0  }
0x41: {  	s0 =	sadd.s32 s6, s8;
	[sflag:s20] =	ssyncadd.s32 $0xFFFFFF38  }
0x42: {  	[tilespmem:s21], [sflag:$0x5] =	stream.linear.gather [hbm4b:s0+s2], $0xC8, $0x38;
	[tilespmem:$0x1BBC0] =	vst v63  }
0x43: {  	_ =	swait.ge [sflag:s20], $0xC8  }
0x44: {  	[sflag:s20] =	ssyncset.done $0x0  }
0x45: {  	[sflag:s20] =	ssyncadd.s32 $0xFFFFFF38  }
0x46: {  	[tilespmem:s22], [sflag:$0x1] =	stream.indirect.gather [hbm4b:s4+s21], $0x20, s2, s21, $0xb8;
	[tilespmem:$0x1BBC0] =	vst v63  }
0x47: {  	_ =	swait.ge [sflag:s29], $0x1900  }
0x48: {  	[sflag:s29] =	ssyncset.done $0x0  }
0x49: {  	[sflag:s29] =	ssyncadd.s32 $0xFFFFE700  }
0x4a: {  	[spmem:s1] =	stream.indirect.scatter.add.f32 [tilespmem:s26], [sflag:$0x5], $0x20, s24, s21, $0xb8;
	[tilespmem:$0x1BBC0] =	vst v63  }
0x4b: {  	s31 =	sadd.s32 $0x190, s14;
	_ =	swait.ge [sflag:s20], $0x1900  }
0x4c: {  	s3 =	simm.s32 $0x64;
	s0 =	simm.s32 $0x32;
	[sflag:s20] =	ssyncset.done $0x0  }
.LBB2_2:
0x4d: {  	s8 =	sadd.s32 s0, s16  }
0x4e: {  	[sflag:s20] =	ssyncadd.s32 $0xFFFFE700;
	s9 =	smov.u32 s3;
	s7 =	sadd.s32 $0x32, s3  }
0x4f: {  	[tilespmem:s23], [sflag:$0x5] =	stream.linear.gather [hbm4b:s8+s2], $0xC8, $0x38;
	[tilespmem:$0x1BBC0] =	vst v63  }
0x50: {  	p1 =	sne.s32 s3, $0xBEA;
	_ =	swait.ge [sflag:s20], $0xC8  }
0x51: {  	[sflag:s20] =	ssyncset.done $0x0  }
0x52: {  	s3 =	sadd.s32 s0, s15;
	s0 =	smov.u32 s9;
	[sflag:s20] =	ssyncadd.s32 $0xFFFFFF38  }
0x53: {  	[tilespmem:s24], [sflag:$0x5] =	stream.linear.gather [hbm4b:s3+s2], $0xC8, $0x38;
	[tilespmem:$0x1BBC0] =	vst v63  }
0x54: {  	_ =	swait.ge [sflag:s20], $0xC8  }
0x55: {  	[sflag:s20] =	ssyncset.done $0x0  }
0x56: {  	[sflag:s20] =	ssyncadd.s32 $0xFFFFFF38  }
0x57: {  	[tilespmem:s26], [sflag:$0x3] =	stream.indirect.gather [hbm4b:s4+s21], $0x20, s23, s21, $0xb8;
	[tilespmem:$0x1BBC0] =	vst v63  }
0x58: {  	_ =	swait.ge [sflag:s28], $0x1900  }
0x59: {  	[sflag:s28] =	ssyncset.done $0x0  }
0x5a: {  	[sflag:s28] =	ssyncadd.s32 $0xFFFFE700  }
0x5b: {  	[spmem:s1] =	stream.indirect.scatter.add.f32 [tilespmem:s22], [sflag:$0x5], $0x20, s21, s21, $0xb8;
	[tilespmem:$0x1BBC0] =	vst v63  }
0x5c: {  	_ =	swait.ge [sflag:s20], $0x1900  }
0x5d: {  	s3 =	sshrl.u32 s31, $0x3;
	[sflag:s20] =	ssyncset.done $0x0  }
0x5e: {  	s8 =	sadd.s32 s5, s3;
	[sflag:s20] =	ssyncadd.s32 $0xFFFFE700  }
0x5f: {  	[tilespmem:s2], [sflag:$0x5] =	stream.linear.gather [hbm4b:s8+s2], $0xC8, $0x38;
	[tilespmem:$0x1BBC0] =	vst v63  }
0x60: {  	_ =	swait.ge [sflag:s20], $0xC8  }
0x61: {  	[sflag:s20] =	ssyncset.done $0x0  }
0x62: {  	s3 =	sadd.s32 s6, s3;
	[sflag:s20] =	ssyncadd.s32 $0xFFFFFF38  }
0x63: {  	[tilespmem:s21], [sflag:$0x5] =	stream.linear.gather [hbm4b:s3+s2], $0xC8, $0x38;
	[tilespmem:$0x1BBC0] =	vst v63  }
0x64: {  	_ =	swait.ge [sflag:s20], $0xC8  }
0x65: {  	[sflag:s20] =	ssyncset.done $0x0  }
0x66: {  	[sflag:s20] =	ssyncadd.s32 $0xFFFFFF38  }
0x67: {  	[tilespmem:s22], [sflag:$0x1] =	stream.indirect.gather [hbm4b:s4+s21], $0x20, s2, s21, $0xb8;
	[tilespmem:$0x1BBC0] =	vst v63  }
0x68: {  	_ =	swait.ge [sflag:s29], $0x1900  }
.Ltmp0:
0x69: {  	[sflag:s29] =	ssyncset.done $0x0;
	(pc) =	sbr.rel @p1 .LBB2_2-.Ltmp0, $4  }
0x6a: {  	[sflag:s29] =	ssyncadd.s32 $0xFFFFE700  }
0x6b: {  	[spmem:s1] =	stream.indirect.scatter.add.f32 [tilespmem:s26], [sflag:$0x5], $0x20, s24, s21, $0xb8;
	[tilespmem:$0x1BBC0] =	vst v63  }
0x6c: {  	_ =	swait.ge [sflag:s20], $0x1900  }
0x6d: {  	s31 =	sadd.s32 $0x190, s31;
	s3 =	smov.u32 s7;
	[sflag:s20] =	ssyncset.done $0x0  }
0x6e: {  	s3 =	sadd.s32 s0, s16;
	[sflag:s20] =	ssyncadd.s32 $0xFFFFE700  }
0x6f: {  	[tilespmem:s23], [sflag:$0x5] =	stream.linear.gather [hbm4b:s3+s2], $0xC8, $0x38;
	[tilespmem:$0x1BBC0] =	vst v63  }
0x70: {  	_ =	swait.ge [sflag:s20], $0xC8  }
0x71: {  	[sflag:s20] =	ssyncset.done $0x0  }
0x72: {  	s8 =	sadd.s32 s0, s15;
	[sflag:s20] =	ssyncadd.s32 $0xFFFFFF38  }
0x73: {  	[tilespmem:s24], [sflag:$0x5] =	stream.linear.gather [hbm4b:s8+s2], $0xC8, $0x38;
	[tilespmem:$0x1BBC0] =	vst v63  }
0x74: {  	_ =	swait.ge [sflag:s20], $0xC8  }
0x75: {  	[sflag:s20] =	ssyncset.done $0x0  }
0x76: {  	[sflag:s20] =	ssyncadd.s32 $0xFFFFFF38  }
0x77: {  	[tilespmem:s26], [sflag:$0x3] =	stream.indirect.gather [hbm4b:s4+s21], $0x20, s23, s21, $0xb8;
	[tilespmem:$0x1BBC0] =	vst v63  }
0x78: {  	_ =	swait.ge [sflag:s28], $0x1900  }
0x79: {  	[sflag:s28] =	ssyncset.done $0x0  }
0x7a: {  	[sflag:s28] =	ssyncadd.s32 $0xFFFFE700  }
0x7b: {  	[spmem:s1] =	stream.indirect.scatter.add.f32 [tilespmem:s22], [sflag:$0x5], $0x20, s21, s21, $0xb8;
	[tilespmem:$0x1BBC0] =	vst v63  }
0x7c: {  	_ =	swait.ge [sflag:s20], $0x1900  }
0x7d: {  	s9 =	sshrl.u32 s31, $0x3;
	[sflag:s20] =	ssyncset.done $0x0  }
0x7e: {  	s31 =	sadd.s32 s5, s9;
	[sflag:s20] =	ssyncadd.s32 $0xFFFFE700  }
0x7f: {  	[tilespmem:s2], [sflag:$0x5] =	stream.linear.gather [hbm4b:s31+s2], $0xC8, $0x38;
	[tilespmem:$0x1BBC0] =	vst v63  }
0x80: {  	_ =	swait.ge [sflag:s20], $0xC8  }
0x81: {  	[sflag:s20] =	ssyncset.done $0x0  }
0x82: {  	s0 =	sadd.s32 s6, s9;
	[sflag:s20] =	ssyncadd.s32 $0xFFFFFF38  }
0x83: {  	[tilespmem:s21], [sflag:$0x5] =	stream.linear.gather [hbm4b:s0+s2], $0xC8, $0x38;
	[tilespmem:$0x1BBC0] =	vst v63  }
0x84: {  	_ =	swait.ge [sflag:s20], $0xC8  }
0x85: {  	[sflag:s20] =	ssyncset.done $0x0  }
0x86: {  	[sflag:s20] =	ssyncadd.s32 $0xFFFFFF38  }
0x87: {  	[tilespmem:s22], [sflag:$0x1] =	stream.indirect.gather [hbm4b:s4+s21], $0x20, s2, s21, $0xb8;
	[tilespmem:$0x1BBC0] =	vst v63  }
0x88: {  	_ =	swait.ge [sflag:s29], $0x1900  }
0x89: {  	[sflag:s29] =	ssyncset.done $0x0  }
0x8a: {  	[sflag:s29] =	ssyncadd.s32 $0xFFFFE700  }
0x8b: {  	[spmem:s1] =	stream.indirect.scatter.add.f32 [tilespmem:s26], [sflag:$0x5], $0x20, s24, s21, $0xb8;
	[tilespmem:$0x1BBC0] =	vst v63  }
0x8c: {  	_ =	swait.ge [sflag:s20], $0x1900  }
0x8d: {  	[sflag:s20] =	ssyncset.done $0x0  }
0x8e: {  	[sflag:s20] =	ssyncadd.s32 $0xFFFFE700  }
0x8f: {  	_ =	swait.ge [sflag:s28], $0x1900  }
0x90: {  	[sflag:s28] =	ssyncset.done $0x0  }
0x91: {  	[sflag:s28] =	ssyncadd.s32 $0xFFFFE700  }
0x92: {  	[spmem:s1] =	stream.indirect.scatter.add.f32 [tilespmem:s22], [sflag:$0x5], $0x20, s21, s21, $0xb8;
	[tilespmem:$0x1BBC0] =	vst v63  }
0x93: {  	_ =	swait.ge [sflag:s20], $0x1900  }
0x94: {  	[sflag:s20] =	ssyncset.done $0x0  }
0x95: {  	[sflag:s20] =	ssyncadd.s32 $0xFFFFE700  }
0x96: {  	s0 =	simm.s32 @p0 $0x1FC5;
	[bflag:$0x0] =	sbarrier.arrive $0xFFFF  }
0x97: {  	[hbm:s12], [sflag:s0] =	dma.local @p0 [spmem:s17], $0x3020  }
0x98: {  	s0 =	simm.s32 @p0 $0x5  }
0x99: {  	s30 =	sadd.s32 $0x1, s30;
	_ =	swait.ge @p0 [sflag:s0], $0x3020  }
0x9a: {  	p1 =	sne.s32 s30, s13;
	[sflag:s0] =	ssyncset.done @p0 $0x0  }
.Ltmp1:
0x9b: {  	[sflag:s0] =	ssyncadd.s32 @p0 $0xFFFFCFE0;
	s0 =	simm.s32 @!p0 $0x5;
	(pc) =	sbr.rel @p1 .LBB2_1-.Ltmp1, $4  }
0x9c: {  	[hbm:s11], [sflag:s18] =	dma.local @!p0 [spmem:s25], $0x30E0  }
0x9d: {  	_ =	swait.ge @!p0 [sflag:s0], $0x30E0  }
0x9e: {  	[sflag:s0] =	ssyncset.done @!p0 $0x0  }
0x9f: {  	[sflag:s0] =	ssyncadd.s32 @!p0 $0xFFFFCF20  }
0xa0: {  	_ =	sfence.sel $0x180000  }
0xa1: {  	[bflag:$0x0] =	sbarrier.arrive $0xFFFF  }
0xa2: {  	_ =	strace $0x9000004D  }
0xa3: {  	s0 =	stileid.u32;
	[bflag:$0x2] =	sbarrier.arrive $0xFFFF  }
0xa4: {  	p0 =	sne.s32 s0, $0x0;
	s0 =	rddreg [dreg:$0x2]  }
0xa5: {  	s0 =	sadd.s32 @!p0 $0x100000, s0  }
0xa6: {  	[sflag:s0] =	ssyncadd.tile.s32 @!p0 $0x1;
	_ =	shalt  }
.Lfunc_end2:
_tile_overlayer_lowered:
.L_overlay_start_2:
0xa7: {  	(tag) =	ssettag $0x2  }
0xa8: {  	s0 =	rddreg [dreg:$0x0];
	s2 =	stileid.u32  }
0xa9: {  	s1 =	rddreg [dreg:$0x1];
	p0 =	sne.s32 s2, $0x0  }
0xaa: {  	s3 =	rddreg [dreg:$0x2];
	[bflag:$0x3] =	sbarrier.arrive $0xFFFF;
	s2 =	simm.s32 @!p0 $0x1C05  }
0xab: {  	[timem:s3], [sflag:s2] =	dma.local @!p0 [hbm:s0], s1  }
0xac: {  	s0 =	simm.s32 @!p0 $0x5  }
0xad: {  	_ =	swait.ge @!p0 [sflag:s0], s1  }
0xae: {  	s1 =	ssub.s32 @!p0 $0x0, s1;
	[sflag:s0] =	ssyncset.done @!p0 $0x0  }
0xaf: {  	[sflag:s0] =	ssyncadd.s32 @!p0 s1  }
0xb0: {  	[bflag:$0x3] =	sbarrier.arrive $0xFFFF  }
0xb1: {  	_ =	shalt  }

// kernel: kernel.8.cloned.1.call-start
scs
__scs_entry_jumppad:
0x0: {  	(pc) =	sbr.rel $0x88, $3  }
0x1: {  	(tag) =	ssettag $0x0;
	lr =	simm.s32 $0x1  }
0x2: {  	[smem:$0x3F96] =	sst lr;
	_ =	strace $0xD0000000  }
0x3: {  	_ = 	snop  }
0x4: {  	_ = 	snop  }
0x5: {  	_ = 	snop  }
0x6: {  	_ = 	snop  }
0x7: {  	_ = 	snop  }
__scs_overlays_trampoline_lowered:
0x8: {  	[smem:$0x3FA5] =	sst s0  }
0x9: {  	[smem:$0x3FA6] =	sst s1  }
0xa: {  	[smem:$0x3FA7] =	sst s2  }
0xb: {  	[smem:$0x3FA8] =	sst s3  }
0xc: {  	[smem:$0x3FA9] =	sst s4  }
0xd: {  	[smem:$0x3FAA] =	sst s5  }
0xe: {  	[smem:$0x3FAB] =	sst s6  }
0xf: {  	[smem:$0x3FAC] =	sst s7  }
0x10: {  	[smem:$0x3FAD] =	sst s8  }
0x11: {  	[smem:$0x3FAE] =	sst s9;
	s0 =	simm.s32 @!p0 $0x0  }
0x12: {  	s1 =	sld [smem:$0x3F94];
	s0 =	simm.s32 @p0 $0x1  }
0x13: {  	[smem:$0x3FAF] =	sst s0;
	s0 =	simm.s32 @!p1 $0x0  }
0x14: {  	s2 =	sld [smem:$0x3F93];
	s0 =	simm.s32 @p1 $0x1  }
0x15: {  	[smem:$0x3FB0] =	sst s0;
	s0 =	simm.s32 @!p2 $0x0  }
0x16: {  	s3 =	sld [smem:$0x3FDB];
	s0 =	simm.s32 @p2 $0x1  }
0x17: {  	s4 =	simm.s32 $0x1BF5;
	[smem:$0x3FB2] =	sst s0  }
0x18: {  	s0 =	sld [smem:$0x3F95];
	_ =	swait.ge [sflag:s4], $0x0  }
0x19: {  	s7 =	sld [smem:$0x3F96]  }
0x1a: {  	s8 =	sadd.s32 $0xFFFFE003, lr  }
0x1b: {  	s9 =	sadd.s32 $0xFFFFFEF7, lr;
	s5 =	simm.s32 $0xFFFFFFFF;
	p2 =	slt.u32 s8, $0xFFFFF086  }
0x1c: {  	p1 =	slt.u32 s9, $0xF7A;
	s5 =	simm.s32 @!p2 $0x0  }
0x1d: {  	s5 =	simm.s32 @p1 $0x1;
	p0 =	seq.s32 s7, s2  }
0x1e: {  	s7 =	smul.u32 @!p0 $0xF7A, s2;
	p2 =	seq.s32 @!p0 s5, $0x0  }
0x1f: {  	s9 =	smul.u32 $0xF7A, s1;
	s8 =	simm.s32 @!p0 $0x1BF5;
	p2 =	por !p2, p0  }
0x20: {  	[sflag:s8] =	ssyncset.s32 @!p0 $0xFFFFF086;
	s6 =	sadd.s32 @!p0 s3, s7;
	s7 =	simm.s32 @!p0 $0x108  }
0x21: {  	s3 =	sadd.s32 s3, s9;
	s6 =	sadd.s32 @!p0 $0x88, s6;
	s7 =	simm.s32 @p2 $0x1082  }
0x22: {  	[simem:s7], [sflag:s8] =	dma.local @!p0 [hbm:s6], $0xF7A  }
0x23: {  	s9 =	sor.u32 $0xD0000000, s2;
	s6 =	simm.s32 $0x108;
	_ =	swait.ge @!p0 [sflag:s8], $0x0  }
0x24: {  	s3 =	sadd.s32 $0x88, s3;
	s6 =	simm.s32 @!p1 $0x1082;
	[sflag:s4] =	ssyncset.s32 $0xFFFFF086  }
0x25: {  	[simem:s6], [sflag:s4] =	dma.local [hbm:s3], $0xF7A  }
0x26: {  	[smem:$0x3F96] =	sst s1;
	(tag) =	ssettag s2;
	_ =	strace s9  }
0x27: {  	s1 =	sld [smem:$0x3FA6]  }
0x28: {  	s2 =	sld [smem:$0x3FA7]  }
0x29: {  	s4 =	sld [smem:$0x3FA9]  }
0x2a: {  	p0 =	seq.s32 s5, $0x0;
	s5 =	sld [smem:$0x3FAA]  }
0x2b: {  	s6 =	sld [smem:$0x3FAB]  }
0x2c: {  	s7 =	sld [smem:$0x3FAC]  }
0x2d: {  	s3 =	simm.s32 $0x108;
	s8 =	sld [smem:$0x3FAD]  }
0x2e: {  	s3 =	simm.s32 @!p0 $0x1082;
	s9 =	sld [smem:$0x3FAE]  }
0x2f: {  	lr =	sadd.s32 s0, s3;
	s0 =	sld [smem:$0x3FA5]  }
0x30: {  	s3 =	sld [smem:$0x3FA8]  }
0x31: {  	[smem:$0x3FB1] =	sst s10  }
0x32: {  	s10 =	sld [smem:$0x3FAF];
	_ =	sdelay $0x3  }
0x33: {  	p0 =	seq.s32 s10, $0x1;
	s10 =	sld [smem:$0x3FB1];
	_ =	sdelay $0x3  }
0x34: {  	[smem:$0x3FB1] =	sst s10  }
0x35: {  	s10 =	sld [smem:$0x3FB0];
	_ =	sdelay $0x3  }
0x36: {  	p1 =	seq.s32 s10, $0x1;
	s10 =	sld [smem:$0x3FB1];
	_ =	sdelay $0x3  }
0x37: {  	[smem:$0x3FB1] =	sst s10  }
0x38: {  	s10 =	sld [smem:$0x3FB2]  }
0x39: {  	_ = 	snop;
	(pc) =	sbr.ind lr, $3  }
0x3a: {  	_ = 	snop  }
0x3b: {  	_ = 	snop  }
0x3c: {  	p2 =	seq.s32 s10, $0x1;
	s10 =	sld [smem:$0x3FB1]  }
0x3d: {  	_ =	shalt  }
0x3e: {  	_ =	shalt  }
0x3f: {  	_ =	shalt  }
0x40: {  	_ =	shalt  }
0x41: {  	_ =	shalt  }
0x42: {  	_ =	shalt  }
0x43: {  	_ =	shalt  }
0x44: {  	_ =	shalt  }
0x45: {  	_ =	shalt  }
0x46: {  	_ =	shalt  }
0x47: {  	_ =	shalt  }
0x48: {  	_ =	shalt  }
0x49: {  	_ =	shalt  }
0x4a: {  	_ =	shalt  }
0x4b: {  	_ =	shalt  }
0x4c: {  	_ =	shalt  }
0x4d: {  	_ =	shalt  }
0x4e: {  	_ =	shalt  }
0x4f: {  	_ =	shalt  }
0x50: {  	_ =	shalt  }
0x51: {  	_ =	shalt  }
0x52: {  	_ =	shalt  }
0x53: {  	_ =	shalt  }
0x54: {  	_ =	shalt  }
0x55: {  	_ =	shalt  }
0x56: {  	_ =	shalt  }
0x57: {  	_ =	shalt  }
0x58: {  	_ =	shalt  }
0x59: {  	_ =	shalt  }
0x5a: {  	_ =	shalt  }
0x5b: {  	_ =	shalt  }
0x5c: {  	_ =	shalt  }
0x5d: {  	_ =	shalt  }
0x5e: {  	_ =	shalt  }
0x5f: {  	_ =	shalt  }
0x60: {  	_ =	shalt  }
0x61: {  	_ =	shalt  }
0x62: {  	_ =	shalt  }
0x63: {  	_ =	shalt  }
0x64: {  	_ =	shalt  }
0x65: {  	_ =	shalt  }
0x66: {  	_ =	shalt  }
0x67: {  	_ =	shalt  }
0x68: {  	_ =	shalt  }
0x69: {  	_ =	shalt  }
0x6a: {  	_ =	shalt  }
0x6b: {  	_ =	shalt  }
0x6c: {  	_ =	shalt  }
0x6d: {  	_ =	shalt  }
0x6e: {  	_ =	shalt  }
0x6f: {  	_ =	shalt  }
0x70: {  	_ =	shalt  }
0x71: {  	_ =	shalt  }
0x72: {  	_ =	shalt  }
0x73: {  	_ =	shalt  }
0x74: {  	_ =	shalt  }
0x75: {  	_ =	shalt  }
0x76: {  	_ =	shalt  }
0x77: {  	_ =	shalt  }
0x78: {  	_ =	shalt  }
0x79: {  	_ =	shalt  }
0x7a: {  	_ =	shalt  }
0x7b: {  	_ =	shalt  }
0x7c: {  	_ =	shalt  }
0x7d: {  	_ =	shalt  }
0x7e: {  	_ =	shalt  }
0x7f: {  	_ =	shalt  }
0x80: {  	_ =	shalt  }
0x81: {  	_ =	shalt  }
0x82: {  	_ =	shalt  }
0x83: {  	_ =	shalt  }
0x84: {  	_ =	shalt  }
0x85: {  	_ =	shalt  }
0x86: {  	_ =	shalt  }
0x87: {  	_ =	shalt  }
.Lfunc_end0:
.L_simem_size_0:
called_computation_lowered:
.L_overlay_start_0:
0x88: {  	s2 =	sld [smem:$0x3FD9]  }
0x89: {  	s3 =	sld [smem:$0x3FFE];
	_ =	sdelay $0x1  }
0x8a: {  	s1 =	srdreg.scid  }
0x8b: {  	s0 =	sand.u32 $0x1, s1  }
0x8c: {  	s16 =	sshll.u32 s0, $0xA;
	s2 =	sadd.s32 s3, s2  }
0x8d: {  	s2 =	sadd.s32 s2, s16  }
0x8e: {  	[smem:$0x3FBD] =	sst s2  }
0x8f: {  	_ = 	snop  }
0x90: {  	(tm) =	ssettm $0x1  }
0x91: {  	s17 =	sld [smem:$0x3FFB];
	_ =	sdelay $0x3  }
0x92: {  	_ =	strace s17  }
0x93: {  	s2 =	sld [smem:$0x3FFC];
	_ =	sdelay $0x3  }
0x94: {  	_ =	strace s2  }
0x95: {  	s2 =	sld [smem:$0x3FFD];
	_ =	sdelay $0x3  }
0x96: {  	_ =	strace s2  }
0x97: {  	_ =	strace $0x8FFFFFFF  }
0x98: {  	s18 =	sld [smem:$0x3FDB];
	_ =	sdelay $0x1  }
0x99: {  	s19 =	simm.s32 $_scs_section_size  }
0x9a: {  	s4 =	simm.s32 $_size__tile_overlayer_lowered;
	s5 =	simm.s32 $_tile_overlayer_lowered  }
0x9b: {  	s22 =	simm.s32 $0x1BFF;
	s21 =	sshll.u32 s5, $0x1;
	s2 =	sadd.s32 s19, s18  }
0x9c: {  	s6 =	simm.s32 $0x0;
	s20 =	sshll.u32 s4, $0x1;
	s4 =	sadd.s32 s21, s2  }
0x9d: {  	[timem:s6], [sflag:s22] =	dma.local [hbm:s4], s20  }
0x9e: {  	_ =	swait.ge [sflag:s22], s20  }
0x9f: {  	s3 =	ssub.s32 $0x0, s20;
	[sflag:s22] =	ssyncset.done $0x0  }
0xa0: {  	[sflag:s22] =	ssyncadd.s32 s3;
	_ =	sdelay $0x1  }
0xa1: {  	s23 =	simm.s32 $0x1B8B  }
0xa2: {  	_ =	swait.ge [sflag:s23], $0x1  }
0xa3: {  	[sflag:s23] =	ssyncset.done $0x0  }
0xa4: {  	s25 =	simm.s32 $0x1B8E;
	s24 =	sld [smem:$0x3FFE];
	[sflag:s23] =	ssyncadd.s32 $0xFFFFFFFF  }
0xa5: {  	s26 =	simm.s32 $execute0_lowered;
	[smem:$0x3FD2] =	sst s25  }
0xa6: {  	s4 =	sshll.u32 s26, $0x1;
	_ =	strace $0x80000046;
	[dreg:$0x1] =	wrdreg $0xFFFFFFFF  }
0xa7: {  	s28 =	simm.s32 $_size_execute0_lowered;
	s2 =	sadd.s32 s2, s4;
	[dreg:$0x0] =	wrdreg $0x0  }
0xa8: {  	s4 =	sshll.u32 s28, $0x1;
	[dreg:$0x2] =	wrdreg s2  }
0xa9: {  	[dreg:$0x3] =	wrdreg s4  }
0xaa: {  	[dreg:$0x4] =	wrdreg $0xC0  }
0xab: {  	_ =	task [dreg:s6], $0x5FFFF  }
0xac: {  	[dreg:$0x1] =	wrdreg $0xFFFFFFFF  }
0xad: {  	[dreg:$0x0] =	wrdreg $0x60  }
0xae: {  	[dreg:$0x2] =	wrdreg s24  }
0xaf: {  	[dreg:$0x3] =	wrdreg $0x42680  }
0xb0: {  	[dreg:$0x4] =	wrdreg $0x9  }
0xb1: {  	_ =	task.clear_ibuf [dreg:s6], $0x5FFFF;
	_ =	strace $0x90000046  }
0xb2: {  	s29 =	simm.s32 $0x9;
	_ =	strace $0x80000048  }
0xb3: {  	_ =	swait.ge [sflag:s29], $0x1  }
0xb4: {  	[sflag:s29] =	ssyncadd.s32 $0xFFFFFFFF  }
0xb5: {  	_ =	strace $0x90000048  }
0xb6: {  	_ =	sfence  }
0xb7: {  	s30 =	sld [smem:$0x0];
	_ =	sdelay $0x2  }
0xb8: {  	s31 =	sshll.u32 s1, $0xD;
	s1 =	sshrl.u32 s1, $0x2  }
0xb9: {  	s3 =	sand.u32 $0x4000, s31;
	s1 =	sadd.s32 s1, s30  }
0xba: {  	s0 =	sor.u32 s3, s0;
	s1 =	sshll.u32 s1, $0x11  }
0xbb: {  	s0 =	sor.u32 s1, s0  }
0xbc: {  	s0 =	sadd.s32 $0x8F2B, s0  }
0xbd: {  	[sflag:s0] =	ssyncadd.remote.s32 $0x1  }
0xbe: {  	_ =	sfence.sel $0xFFFF  }
0xbf: {  	[dreg:$0x0] =	wrdreg $0xFFFFFFFF;
	(pc) =	sbr.abs _section_cstart, $3  }
0xc0: {  	[dreg:$0x1] =	wrdreg $0xFFFFFFFF  }
0xc1: {  	_ =	task.clear_ibuf [dreg:s6], $0x2FFFF;
	_ =	strace $0x9FFFFFFF  }
0xc2: {  	(tm) =	ssettm $0x7FFFFFFF  }
0xc3: {  	_ =	shalt  }
tec
execute0_lowered:
.L_overlay_start_1:
0x0: {  	(tag) =	ssettag $0x1  }
0x1: {  	s0 =	srdreg.scid  }
0x2: {  	s5 =	sand.u32 $0x1, s0  }
0x3: {  	s0 =	stileid.u32;
	s4 =	smul.u32 $0x61A80, s5  }
0x4: {  	s6 =	rddreg [dreg:$0x0];
	s7 =	smul.u32 $0x61A8, s0  }
0x5: {  	s2 =	rddreg [dreg:$0x1];
	s28 =	smul.u32 $0x1870, s0  }
0x6: {  	s1 =	rddreg [dreg:$0x2];
	s3 =	simm.s32 $0x0;
	s9 =	smul.u32 $0xC380, s0  }
0x7: {  	[smem:$0x7FF] =	sst s3;
	s13 =	sadd.s32 $0x4B200, s6;
	s12 =	smul.u32 $0x186A0, s5  }
0x8: {  	s16 =	sadd.s32 $0xB7480, s2;
	s8 =	ssub.s32 $0x2, s5;
	s29 =	smul.u32 $0x30E00, s0  }
0x9: {  	_ =	strace $0x80000047;
	s15 =	smul.u32 $0xC3500, s5;
	s11 =	sshrl.u32 s8, $0x1  }
0xa: {  	p0 =	seq.s32 s0, $0xF;
	s4 =	sadd.s32 s7, s4;
	s11 =	ssub.s32 s8, s11  }
0xb: {  	s14 =	sadd.s32 s9, s2;
	s9 =	sshrl.u32 s9, $0x3;
	s7 =	sadd.s32 s28, s12  }
0xc: {  	s8 =	sshrl.u32 s29, $0x2;
	s30 =	sshrl.u32 s15, $0x3;
	s12 =	sshll.u32 @!p0 s0, $0x6  }
0xd: {  	s15 =	simm.s32 $0x1;
	s4 =	sshrl.u32 s4, $0x3;
	s7 =	sadd.s32 s13, s7  }
0xe: {  	s17 =	sadd.s32 s8, s2;
	s31 =	sadd.s32 s13, s30;
	s12 =	sor.u32 @!p0 $0x1C01, s12  }
0xf: {  	s13 =	sshrl.u32 @!p0 s14, $0x3;
	s14 =	simm.s32 $0x3E8;
	s10 =	sadd.s32 s4, s6  }
0x10: {  	s4 =	sadd.s32 $0x32A00, s6;
	s6 =	sadd.s32 $0x49890, s6;
	s8 =	sadd.s32 $0x16E90, s31  }
0x11: {  	s5 =	sadd.s32 s4, s9;
	s9 =	smax.u32 s11, $0x1;
	s10 =	sadd.s32 $0x1A00, s10  }
0x12: {  	s11 =	sshrl.u32 @p0 s16, $0x3;
	s16 =	sshrl.u32 @!p0 s17, $0x3;
	s17 =	simm.s32 $0x0  }
.LBB2_1:
0x13: {  	s18 =	simm.s32 @p0 $0x1FC1  }
0x14: {  	[spmem:s11], [sflag:s18] =	dma.local @p0 [hbm:s6], $0x1810  }
0x15: {  	s18 =	simm.s32 @p0 $0x1  }
0x16: {  	_ =	swait.ge @p0 [sflag:s18], $0x1810  }
0x17: {  	[sflag:s18] =	ssyncset.done @p0 $0x0  }
0x18: {  	[sflag:s18] =	ssyncadd.s32 @p0 $0xFFFFE7F0;
	s18 =	simm.s32 @!p0 $0x1  }
0x19: {  	[spmem:s13], [sflag:s12] =	dma.local @!p0 [hbm:s5], $0x1870  }
0x1a: {  	_ =	swait.ge @!p0 [sflag:s18], $0x1870  }
0x1b: {  	[sflag:s18] =	ssyncset.done @!p0 $0x0  }
0x1c: {  	[sflag:s18] =	ssyncadd.s32 @!p0 $0xFFFFE790  }
0x1d: {  	[tilespmem:s14], [sflag:$0x1] =	stream.linear.gather [hbm4b:s4+s3], $0x3E80, $0x38;
	[tilespmem:$0x105B8] =	vst v63  }
0x1e: {  	_ =	swait.ge [sflag:s15], $0x3E80  }
0x1f: {  	[sflag:s15] =	ssyncset.done $0x0  }
0x20: {  	[sflag:s15] =	ssyncadd.s32 $0xFFFFC180  }
0x21: {  	s31 =	sadd.s32 $0x0, s10;
	[bflag:$0x0] =	sbarrier.arrive $0xFFFF  }
0x22: {  	[tilespmem:s3], [sflag:$0x1] =	stream.linear.gather [hbm4b:s31+s3], $0x3E8, $0x38;
	[tilespmem:$0x105B8] =	vst v63  }
0x23: {  	_ =	swait.ge [sflag:s15], $0x3E8  }
0x24: {  	[sflag:s15] =	ssyncset.done $0x0  }
0x25: {  	[sflag:s15] =	ssyncadd.s32 $0xFFFFFC18  }
0x26: {  	[spmem:s2] =	stream.indirect.scatter.add.f32 [tilespmem:s14], [sflag:$0x1], $0x10, s3, s14, $0xb8;
	[tilespmem:$0x105B8] =	vst v63  }
0x27: {  	_ =	swait.ge [sflag:s15], $0x3E80  }
0x28: {  	s19 =	simm.s32 $0xFA;
	s18 =	simm.s32 $0x7D;
	[sflag:s15] =	ssyncset.done $0x0  }
.LBB2_2:
0x29: {  	s20 =	sadd.s32 s18, s10  }
0x2a: {  	[sflag:s15] =	ssyncadd.s32 $0xFFFFC180;
	s18 =	smov.u32 s19;
	s21 =	sadd.s32 $0x7D, s19  }
0x2b: {  	[tilespmem:s3], [sflag:$0x1] =	stream.linear.gather [hbm4b:s20+s3], $0x3E8, $0x38;
	[tilespmem:$0x105B8] =	vst v63  }
0x2c: {  	p1 =	sne.s32 s19, $0xBB8;
	_ =	swait.ge [sflag:s15], $0x3E8  }
.Ltmp0:
0x2d: {  	[sflag:s15] =	ssyncset.done $0x0;
	(pc) =	sbr.rel @p1 .LBB2_2-.Ltmp0, $4  }
0x2e: {  	[sflag:s15] =	ssyncadd.s32 $0xFFFFFC18  }
0x2f: {  	[spmem:s2] =	stream.indirect.scatter.add.f32 [tilespmem:s14], [sflag:$0x1], $0x10, s3, s14, $0xb8;
	[tilespmem:$0x105B8] =	vst v63  }
0x30: {  	_ =	swait.ge [sflag:s15], $0x3E80  }
0x31: {  	s19 =	smov.u32 s21;
	[sflag:s15] =	ssyncset.done $0x0  }
0x32: {  	s18 =	sadd.s32 s18, s10;
	[sflag:s15] =	ssyncadd.s32 $0xFFFFC180  }
0x33: {  	[tilespmem:s3], [sflag:$0x1] =	stream.linear.gather [hbm4b:s18+s3], $0x3E8, $0x38;
	[tilespmem:$0x105B8] =	vst v63  }
0x34: {  	_ =	swait.ge [sflag:s15], $0x3E8  }
0x35: {  	[sflag:s15] =	ssyncset.done $0x0  }
0x36: {  	[sflag:s15] =	ssyncadd.s32 $0xFFFFFC18  }
0x37: {  	[spmem:s2] =	stream.indirect.scatter.add.f32 [tilespmem:s14], [sflag:$0x1], $0x10, s3, s14, $0xb8;
	[tilespmem:$0x105B8] =	vst v63  }
0x38: {  	_ =	swait.ge [sflag:s15], $0x3E80  }
0x39: {  	[sflag:s15] =	ssyncset.done $0x0  }
0x3a: {  	[sflag:s15] =	ssyncadd.s32 $0xFFFFC180  }
0x3b: {  	s18 =	simm.s32 @p0 $0x1FC1;
	[bflag:$0x0] =	sbarrier.arrive $0xFFFF  }
0x3c: {  	[hbm:s8], [sflag:s18] =	dma.local @p0 [spmem:s11], $0x1810  }
0x3d: {  	s18 =	simm.s32 @p0 $0x1  }
0x3e: {  	s17 =	sadd.s32 $0x1, s17;
	_ =	swait.ge @p0 [sflag:s18], $0x1810  }
0x3f: {  	p1 =	sne.s32 s17, s9;
	[sflag:s18] =	ssyncset.done @p0 $0x0  }
.Ltmp1:
0x40: {  	[sflag:s18] =	ssyncadd.s32 @p0 $0xFFFFE7F0;
	s18 =	simm.s32 @!p0 $0x1;
	(pc) =	sbr.rel @p1 .LBB2_1-.Ltmp1, $4  }
0x41: {  	[hbm:s7], [sflag:s12] =	dma.local @!p0 [spmem:s16], $0x1870  }
0x42: {  	_ =	swait.ge @!p0 [sflag:s18], $0x1870  }
0x43: {  	[sflag:s18] =	ssyncset.done @!p0 $0x0  }
0x44: {  	[sflag:s18] =	ssyncadd.s32 @!p0 $0xFFFFE790  }
0x45: {  	_ =	sfence.sel $0x180000  }
0x46: {  	[bflag:$0x0] =	sbarrier.arrive $0xFFFF  }
0x47: {  	p0 =	sne.s32 s0, $0x0;
	_ =	strace $0x90000047  }
0x48: {  	s0 =	sadd.s32 @!p0 $0x100000, s1;
	[bflag:$0x2] =	sbarrier.arrive $0xFFFF  }
0x49: {  	[sflag:s0] =	ssyncadd.tile.s32 @!p0 $0x1;
	_ =	shalt  }
.Lfunc_end2:
_tile_overlayer_lowered:
.L_overlay_start_2:
0x4a: {  	(tag) =	ssettag $0x2  }
0x4b: {  	s0 =	rddreg [dreg:$0x0];
	s2 =	stileid.u32  }
0x4c: {  	s1 =	rddreg [dreg:$0x1];
	p0 =	sne.s32 s2, $0x0  }
0x4d: {  	s3 =	rddreg [dreg:$0x2];
	[bflag:$0x3] =	sbarrier.arrive $0xFFFF;
	s2 =	simm.s32 @!p0 $0x1C01  }
0x4e: {  	[timem:s3], [sflag:s2] =	dma.local @!p0 [hbm:s0], s1  }
0x4f: {  	s0 =	simm.s32 @!p0 $0x1  }
0x50: {  	_ =	swait.ge @!p0 [sflag:s0], s1  }
0x51: {  	s1 =	ssub.s32 @!p0 $0x0, s1;
	[sflag:s0] =	ssyncset.done @!p0 $0x0  }
0x52: {  	[sflag:s0] =	ssyncadd.s32 @!p0 s1  }
0x53: {  	[bflag:$0x3] =	sbarrier.arrive $0xFFFF  }
0x54: {  	_ =	shalt  }

</sc_bundles>
